<compile_context>
chip_gen: v7x
topology: tpu7x:2x2x1
jax: 0.10.2.dev20260603
libtpu: 0.0.44.dev20260713+nightly
codegen_flags: <defaults>
</compile_context>

<pallas_src>
import functools

import jax
import jax.numpy as jnp
from jax import lax
from jax.experimental import pallas as pl
from jax.experimental.pallas import tpu as pltpu, tpu_sc as plsc

_N = 10000
_NODE_MASKING = 0.3
_RADIUS = 0.75
_K = 50
_NUM_BINS = 5
_CUTOFF = 5.0
_N_KEEP = int(_N * (1.0 - _NODE_MASKING))

_BR = 512
_PAD = 7168
_KPAD = 64
_F = 128

_E = _N_KEEP * _K
_NW = 32
_EPAD = 350208
_BPW = _EPAD // _NW


def _augment_consts():
    base = jax.random.key(1)
    k1 = jax.random.fold_in(base, 0)
    k2 = jax.random.fold_in(base, 1)
    k3 = jax.random.fold_in(base, 2)
    scores = jax.random.uniform(k1, (_N,))
    keep_idx = jnp.argsort(scores)[:_N_KEEP]
    dirs = jax.random.normal(k2, (_N_KEEP, 3), dtype=jnp.float32)
    dirs = dirs / (jnp.linalg.norm(dirs, axis=1, keepdims=True) + 1e-12)
    u = jax.random.uniform(k3, (_N_KEEP, 1), dtype=jnp.float32)
    noise = dirs * _RADIUS * (u ** (1.0 / 3.0))
    return keep_idx, noise


def _knn_kernel(a_ref, btb_ref, sqc_ref, nbr_ref, sel_ref):
    i = pl.program_id(0)
    a = a_ref[...]
    sq_r = jnp.sum(a * a, axis=1, keepdims=True)
    dot = jnp.dot(a.astype(jnp.bfloat16), btb_ref[...],
                  preferred_element_type=jnp.float32)
    d2s = sq_r + sqc_ref[0:1, :] - 2.0 * dot
    col = jax.lax.broadcasted_iota(jnp.int32, d2s.shape, 1)
    row = jax.lax.broadcasted_iota(jnp.int32, d2s.shape, 0) + i * _BR
    d2s = jnp.where((col == row) | (col >= _N_KEEP), jnp.inf, d2s)
    sel_ref[...] = d2s

    kcol = jax.lax.broadcasted_iota(jnp.int32, (_BR, _KPAD), 1)

    def body(t, carry):
        prev_m, prev_idx, nbr_acc = carry
        v0 = sel_ref[...]
        v = jnp.where((v0 == prev_m) & (col == prev_idx), jnp.inf, v0)
        sel_ref[...] = v
        m = jnp.min(v, axis=1, keepdims=True)
        idx = jnp.min(jnp.where(v == m, col, _PAD), axis=1,
                      keepdims=True)
        nbr_acc = jnp.where(kcol == t, idx, nbr_acc)
        return m, idx, nbr_acc

    m0 = jnp.full((_BR, 1), -jnp.inf, jnp.float32)
    i0 = jnp.full((_BR, 1), -1, jnp.int32)
    _, _, nbr_acc = jax.lax.fori_loop(
        0, _K, body, (m0, i0, jnp.zeros((_BR, _KPAD), jnp.int32)))
    nbr_ref[...] = nbr_acc


_sc_mesh = plsc.VectorSubcoreMesh(core_axis_name="c", subcore_axis_name="s")


@functools.partial(
    pl.kernel, mesh=_sc_mesh,
    out_type=jax.ShapeDtypeStruct((_EPAD,), jnp.float32),
    compiler_params=pltpu.CompilerParams(needs_layout_passes=False),
    scratch_types=[
        pltpu.VMEM((_PAD,), jnp.float32),
        pltpu.VMEM((_PAD,), jnp.float32),
        pltpu.VMEM((_PAD,), jnp.float32),
        pltpu.VMEM((_BPW,), jnp.int32),
        pltpu.VMEM((_BPW,), jnp.int32),
        pltpu.VMEM((_BPW,), jnp.float32),
    ],
)
def _sc_edge_d2(x_hbm, y_hbm, z_hbm, is_hbm, id_hbm, out_hbm,
                xv, yv, zv, isv, idv, ov):
    wid = lax.axis_index("s") * 2 + lax.axis_index("c")
    base = wid * _BPW
    pltpu.sync_copy(x_hbm, xv)
    pltpu.sync_copy(y_hbm, yv)
    pltpu.sync_copy(z_hbm, zv)
    pltpu.sync_copy(is_hbm.at[pl.ds(base, _BPW)], isv)
    pltpu.sync_copy(id_hbm.at[pl.ds(base, _BPW)], idv)

    def body(g, _):
        off = g * 16
        ii = isv[pl.ds(off, 16)]
        jj = idv[pl.ds(off, 16)]
        dx = plsc.load_gather(xv, [ii]) - plsc.load_gather(xv, [jj])
        dy = plsc.load_gather(yv, [ii]) - plsc.load_gather(yv, [jj])
        dz = plsc.load_gather(zv, [ii]) - plsc.load_gather(zv, [jj])
        ov[pl.ds(off, 16)] = (dx * dx + dy * dy) + dz * dz
        return 0

    lax.fori_loop(0, _BPW // 16, body, 0)
    pltpu.sync_copy(ov, out_hbm.at[pl.ds(base, _BPW)])


def _rbf_kernel(d2_ref, *out_refs):
    dist = jnp.sqrt(d2_ref[...] + 1e-12)
    sigma = _CUTOFF / (_NUM_BINS - 1)
    for b in range(_NUM_BINS):
        out_refs[b][...] = jnp.exp(
            -((dist - b * sigma) ** 2) / (2.0 * sigma * sigma))


@jax.jit
def kernel(pos):
    keep_idx, noise = _augment_consts()
    p = jnp.take(pos, keep_idx, axis=0) + noise

    p_pad = jnp.zeros((_PAD, _F), jnp.float32).at[:_N_KEEP, :3].set(p)
    btb = p_pad.T.astype(jnp.bfloat16)
    sqc = jnp.broadcast_to(jnp.sum(p_pad * p_pad, axis=1)[None, :], (8, _PAD))

    nbr_full = pl.pallas_call(
        _knn_kernel,
        grid=(_PAD // _BR,),
        in_specs=[
            pl.BlockSpec((_BR, _F), lambda i: (i, 0)),
            pl.BlockSpec((_F, _PAD), lambda i: (0, 0)),
            pl.BlockSpec((8, _PAD), lambda i: (0, 0)),
        ],
        out_specs=pl.BlockSpec((_BR, _KPAD), lambda i: (i, 0)),
        out_shape=jax.ShapeDtypeStruct((_PAD, _KPAD), jnp.int32),
        scratch_shapes=[pltpu.VMEM((_BR, _PAD), jnp.float32)],
    )(p_pad, btb, sqc)

    nbr = nbr_full[:_N_KEEP, :_K]
    src = nbr.reshape(-1)
    dst = jnp.repeat(jnp.arange(_N_KEEP, dtype=src.dtype), _K)

    src_pad = jnp.zeros((_EPAD,), jnp.int32).at[:_E].set(src)
    dst_pad = jnp.zeros((_EPAD,), jnp.int32).at[:_E].set(dst)
    d2_edges = _sc_edge_d2(p_pad[:, 0], p_pad[:, 1], p_pad[:, 2],
                           src_pad, dst_pad)

    bins = pl.pallas_call(
        _rbf_kernel,
        out_shape=[jax.ShapeDtypeStruct((_EPAD // 128, 128), jnp.float32)
                   for _ in range(_NUM_BINS)],
    )(d2_edges.reshape(_EPAD // 128, 128))
    ea = jnp.stack([b.reshape(-1) for b in bins], axis=1)[:_E]
    edge_attr = jnp.concatenate([ea, ea], axis=0)

    edge_index = jnp.stack(
        [jnp.concatenate([src, dst]), jnp.concatenate([dst, src])], axis=0)
    return edge_index, edge_attr

# --- scband reference (transcript-rebuilt; emitter-appended) ---
"""Pipeline reference for scband-augmentation-module-16140487098637 (READ-ONLY COPY).

The authoritative reference and input builder live on the scoring server;
editing this copy changes nothing except your own understanding.
"""

import jax, jax.numpy as jnp
import numpy as np

N = 10000
NODE_MASKING = 0.3
RADIUS = 0.75
K = 50
NUM_BINS = 5
CUTOFF = 5.0
N_KEEP = int(N * (1.0 - NODE_MASKING))


def setup_inputs(seed: int = 0) -> dict:
    key = jax.random.key(seed)
    pos = jax.random.normal(key, (N, 3), dtype=jnp.float32) * 10.0
    return {"pos": pos}


def reference(pos):
    base = jax.random.key(1)
    k1 = jax.random.fold_in(base, 0)
    k2 = jax.random.fold_in(base, 1)
    k3 = jax.random.fold_in(base, 2)
    # RandomNodeDeletion(0.3): keep a fixed random subset of 70% of nodes
    scores = jax.random.uniform(k1, (N,))
    keep_idx = jnp.argsort(scores)[:N_KEEP]
    p = jnp.take(pos, keep_idx, axis=0)
    # RandomSphericalNoise(radius): uniform displacement inside ball of radius RADIUS
    dirs = jax.random.normal(k2, (N_KEEP, 3), dtype=jnp.float32)
    dirs = dirs / (jnp.linalg.norm(dirs, axis=1, keepdims=True) + 1e-12)
    u = jax.random.uniform(k3, (N_KEEP, 1), dtype=jnp.float32)
    p = p + dirs * RADIUS * (u ** (1.0 / 3.0))
    # KNNGraph(k=50): brute-force pairwise squared distances + top_k
    sq = jnp.sum(p * p, axis=1)
    d2 = sq[:, None] + sq[None, :] - 2.0 * (p @ p.T)
    d2 = d2.at[jnp.arange(N_KEEP), jnp.arange(N_KEEP)].set(jnp.inf)
    _, nbr = jax.lax.top_k(-d2, K)  # [N_KEEP, K] nearest-neighbor indices
    dst = jnp.repeat(jnp.arange(N_KEEP), K)
    src = nbr.reshape(-1)
    # force_undirected=True: add reverse edges (fixed-size union, duplicates kept)
    row = jnp.concatenate([src, dst])
    col = jnp.concatenate([dst, src])
    edge_index = jnp.stack([row, col], axis=0)
    # T.Distance(norm=False): euclidean edge length
    diff = jnp.take(p, row, axis=0) - jnp.take(p, col, axis=0)
    dist = jnp.sqrt(jnp.sum(diff * diff, axis=1) + 1e-12)
    # DistanceRDF(num_bins=5): Gaussian radial-basis smearing of edge distances
    centers = jnp.linspace(0.0, CUTOFF, NUM_BINS)
    sigma = centers[1] - centers[0]
    edge_attr = jnp.exp(-((dist[:, None] - centers[None, :]) ** 2) / (2.0 * sigma * sigma))
    return edge_index, edge_attr

if __name__ == "__main__":
    import jax
    _d = setup_inputs()
    print(jax.jit(kernel)(*tuple(_d.values())))

</pallas_src>

<mosaic_0001>
#map = affine_map<(d0, d1) -> (0)>
module attributes {stable_mosaic.version = 14 : i64} {
  func.func @_sc_edge_d2(%arg0: i32, %arg1: i32, %arg2: memref<7168xf32, #tpu.memory_space<hbm>>, %arg3: memref<7168xf32, #tpu.memory_space<hbm>>, %arg4: memref<7168xf32, #tpu.memory_space<hbm>>, %arg5: memref<350208xi32, #tpu.memory_space<hbm>>, %arg6: memref<350208xi32, #tpu.memory_space<hbm>>, %arg7: memref<350208xf32, #tpu.memory_space<hbm>>, %arg8: memref<7168xf32, #tpu.memory_space<vmem>>, %arg9: memref<7168xf32, #tpu.memory_space<vmem>>, %arg10: memref<7168xf32, #tpu.memory_space<vmem>>, %arg11: memref<10944xi32, #tpu.memory_space<vmem>>, %arg12: memref<10944xi32, #tpu.memory_space<vmem>>, %arg13: memref<10944xf32, #tpu.memory_space<vmem>>) attributes {dimension_semantics = [#tpu.dimension_semantics<core_parallel>, #tpu.dimension_semantics<subcore_parallel>], iteration_bounds = array<i64: 2, 16>, scalar_prefetch = 0 : i64, scratch_operands = 6 : i64, tpu.core_type = #tpu.core_type<sc_vector_subcore>, window_params = [{transform_indices = #map}, {transform_indices = #map}, {transform_indices = #map}, {transform_indices = #map}, {transform_indices = #map}, {transform_indices = #map}]} {
    %mul3A = arith.constant 2 : i32
    %mul3A_0 = arith.muli %arg1, %mul3A : i32
    %add3A = arith.addi %mul3A_0, %arg0 : i32
    %mul3A_1 = arith.constant 10944 : i32
    %mul3A_2 = arith.muli %add3A, %mul3A_1 : i32
    "tpu.region"() ({
      %run_scoped3A = tpu.sem_alloc : memref<!tpu.dma_semaphore, #tpu.memory_space<semaphore_mem>>
      tpu.enqueue_dma source(%arg2 : memref<7168xf32, #tpu.memory_space<hbm>>) target(%arg8 : memref<7168xf32, #tpu.memory_space<vmem>>) target_semaphore(%run_scoped3A : memref<!tpu.dma_semaphore, #tpu.memory_space<semaphore_mem>>)
      tpu.wait_dma2 semaphore(%run_scoped3A : memref<!tpu.dma_semaphore, #tpu.memory_space<semaphore_mem>>) src(%arg2 : memref<7168xf32, #tpu.memory_space<hbm>>) dst(%arg8 : memref<7168xf32, #tpu.memory_space<vmem>>)
      tpu.yield
    }) : () -> ()
    "tpu.region"() ({
      %run_scoped3A = tpu.sem_alloc : memref<!tpu.dma_semaphore, #tpu.memory_space<semaphore_mem>>
      tpu.enqueue_dma source(%arg3 : memref<7168xf32, #tpu.memory_space<hbm>>) target(%arg9 : memref<7168xf32, #tpu.memory_space<vmem>>) target_semaphore(%run_scoped3A : memref<!tpu.dma_semaphore, #tpu.memory_space<semaphore_mem>>)
      tpu.wait_dma2 semaphore(%run_scoped3A : memref<!tpu.dma_semaphore, #tpu.memory_space<semaphore_mem>>) src(%arg3 : memref<7168xf32, #tpu.memory_space<hbm>>) dst(%arg9 : memref<7168xf32, #tpu.memory_space<vmem>>)
      tpu.yield
    }) : () -> ()
    "tpu.region"() ({
      %run_scoped3A = tpu.sem_alloc : memref<!tpu.dma_semaphore, #tpu.memory_space<semaphore_mem>>
      tpu.enqueue_dma source(%arg4 : memref<7168xf32, #tpu.memory_space<hbm>>) target(%arg10 : memref<7168xf32, #tpu.memory_space<vmem>>) target_semaphore(%run_scoped3A : memref<!tpu.dma_semaphore, #tpu.memory_space<semaphore_mem>>)
      tpu.wait_dma2 semaphore(%run_scoped3A : memref<!tpu.dma_semaphore, #tpu.memory_space<semaphore_mem>>) src(%arg4 : memref<7168xf32, #tpu.memory_space<hbm>>) dst(%arg10 : memref<7168xf32, #tpu.memory_space<vmem>>)
      tpu.yield
    }) : () -> ()
    "tpu.region"() ({
      %run_scoped3A = tpu.sem_alloc : memref<!tpu.dma_semaphore, #tpu.memory_space<semaphore_mem>>
      %dma_start3A = tpu.memref_slice %arg5[%mul3A_2] : memref<350208xi32, #tpu.memory_space<hbm>> -> memref<10944xi32, #tpu.memory_space<hbm>>
      %dma_start3A_9 = tpu.memref_slice %arg5[%mul3A_2] : memref<350208xi32, #tpu.memory_space<hbm>> -> memref<10944xi32, #tpu.memory_space<hbm>>
      tpu.enqueue_dma source(%dma_start3A_9 : memref<10944xi32, #tpu.memory_space<hbm>>) target(%arg11 : memref<10944xi32, #tpu.memory_space<vmem>>) target_semaphore(%run_scoped3A : memref<!tpu.dma_semaphore, #tpu.memory_space<semaphore_mem>>)
      %dma_wait3A = tpu.memref_slice %arg5[%mul3A_2] : memref<350208xi32, #tpu.memory_space<hbm>> -> memref<10944xi32, #tpu.memory_space<hbm>>
      %dma_wait3A_10 = tpu.memref_slice %arg5[%mul3A_2] : memref<350208xi32, #tpu.memory_space<hbm>> -> memref<10944xi32, #tpu.memory_space<hbm>>
      tpu.wait_dma2 semaphore(%run_scoped3A : memref<!tpu.dma_semaphore, #tpu.memory_space<semaphore_mem>>) src(%dma_wait3A_10 : memref<10944xi32, #tpu.memory_space<hbm>>) dst(%arg11 : memref<10944xi32, #tpu.memory_space<vmem>>)
      tpu.yield
    }) : () -> ()
    "tpu.region"() ({
      %run_scoped3A = tpu.sem_alloc : memref<!tpu.dma_semaphore, #tpu.memory_space<semaphore_mem>>
      %dma_start3A = tpu.memref_slice %arg6[%mul3A_2] : memref<350208xi32, #tpu.memory_space<hbm>> -> memref<10944xi32, #tpu.memory_space<hbm>>
      %dma_start3A_9 = tpu.memref_slice %arg6[%mul3A_2] : memref<350208xi32, #tpu.memory_space<hbm>> -> memref<10944xi32, #tpu.memory_space<hbm>>
      tpu.enqueue_dma source(%dma_start3A_9 : memref<10944xi32, #tpu.memory_space<hbm>>) target(%arg12 : memref<10944xi32, #tpu.memory_space<vmem>>) target_semaphore(%run_scoped3A : memref<!tpu.dma_semaphore, #tpu.memory_space<semaphore_mem>>)
      %dma_wait3A = tpu.memref_slice %arg6[%mul3A_2] : memref<350208xi32, #tpu.memory_space<hbm>> -> memref<10944xi32, #tpu.memory_space<hbm>>
      %dma_wait3A_10 = tpu.memref_slice %arg6[%mul3A_2] : memref<350208xi32, #tpu.memory_space<hbm>> -> memref<10944xi32, #tpu.memory_space<hbm>>
      tpu.wait_dma2 semaphore(%run_scoped3A : memref<!tpu.dma_semaphore, #tpu.memory_space<semaphore_mem>>) src(%dma_wait3A_10 : memref<10944xi32, #tpu.memory_space<hbm>>) dst(%arg12 : memref<10944xi32, #tpu.memory_space<vmem>>)
      tpu.yield
    }) : () -> ()
    %scan3A = arith.constant 0 : i32
    %scan3A_3 = arith.constant 0 : i32
    %scan3A_4 = arith.constant 684 : i32
    %scan3A_5 = arith.addi %scan3A_3, %scan3A_4 : i32
    %scan3A_6 = arith.constant 1 : i32
    %scan3A_7 = scf.for %scan3A_9 = %scan3A_3 to %scan3A_5 step %scan3A_6 iter_args(%scan3A_10 = %scan3A) -> (i32)  : i32 {
      %mul3A_11 = arith.constant 16 : i32
      %mul3A_12 = arith.muli %scan3A_9, %mul3A_11 : i32
      %get3A = arith.index_cast %mul3A_12 : i32 to index
      %get3A_13 = tpu.vector_load %arg11[%get3A] {strides = array<i32>} : memref<10944xi32, #tpu.memory_space<vmem>>, vector<16xi32>,
      %get3A_14 = arith.index_cast %mul3A_12 : i32 to index
      %get3A_15 = tpu.vector_load %arg12[%get3A_14] {strides = array<i32>} : memref<10944xi32, #tpu.memory_space<vmem>>, vector<16xi32>,
      %gather3A = tpu.vector_load_idx %arg8[%get3A_13] : memref<7168xf32, #tpu.memory_space<vmem>>[vector<16xi32>], vector<16xf32>,
      %gather3A_16 = tpu.vector_load_idx %arg8[%get3A_15] : memref<7168xf32, #tpu.memory_space<vmem>>[vector<16xi32>], vector<16xf32>,
      %sub3A = arith.subf %gather3A, %gather3A_16 : vector<16xf32>
      %gather3A_17 = tpu.vector_load_idx %arg9[%get3A_13] : memref<7168xf32, #tpu.memory_space<vmem>>[vector<16xi32>], vector<16xf32>,
      %gather3A_18 = tpu.vector_load_idx %arg9[%get3A_15] : memref<7168xf32, #tpu.memory_space<vmem>>[vector<16xi32>], vector<16xf32>,
      %sub3A_19 = arith.subf %gather3A_17, %gather3A_18 : vector<16xf32>
      %gather3A_20 = tpu.vector_load_idx %arg10[%get3A_13] : memref<7168xf32, #tpu.memory_space<vmem>>[vector<16xi32>], vector<16xf32>,
      %gather3A_21 = tpu.vector_load_idx %arg10[%get3A_15] : memref<7168xf32, #tpu.memory_space<vmem>>[vector<16xi32>], vector<16xf32>,
      %sub3A_22 = arith.subf %gather3A_20, %gather3A_21 : vector<16xf32>
      %mul3A_23 = arith.mulf %sub3A, %sub3A : vector<16xf32>
      %mul3A_24 = arith.mulf %sub3A_19, %sub3A_19 : vector<16xf32>
      %add3A_25 = arith.addf %mul3A_23, %mul3A_24 : vector<16xf32>
      %mul3A_26 = arith.mulf %sub3A_22, %sub3A_22 : vector<16xf32>
      %add3A_27 = arith.addf %add3A_25, %mul3A_26 : vector<16xf32>
      %swap3A = arith.index_cast %mul3A_12 : i32 to index
      %swap3A_28 = tpu.vector_load %arg13[%swap3A] {strides = array<i32>} : memref<10944xf32, #tpu.memory_space<vmem>>, vector<16xf32>,
      tpu.vector_store %arg13[%swap3A], %add3A_27 {strides = array<i32>} : memref<10944xf32, #tpu.memory_space<vmem>>, vector<16xf32>,
      %scan3A_29 = arith.constant 0 : i32
      scf.yield %scan3A_29 : i32
    }
    %scan3A_8 = arith.constant 684 : i32
    "tpu.region"() ({
      %run_scoped3A = tpu.sem_alloc : memref<!tpu.dma_semaphore, #tpu.memory_space<semaphore_mem>>
      %dma_start3A = tpu.memref_slice %arg7[%mul3A_2] : memref<350208xf32, #tpu.memory_space<hbm>> -> memref<10944xf32, #tpu.memory_space<hbm>>
      %dma_start3A_9 = tpu.memref_slice %arg7[%mul3A_2] : memref<350208xf32, #tpu.memory_space<hbm>> -> memref<10944xf32, #tpu.memory_space<hbm>>
      tpu.enqueue_dma source(%arg13 : memref<10944xf32, #tpu.memory_space<vmem>>) target(%dma_start3A_9 : memref<10944xf32, #tpu.memory_space<hbm>>) target_semaphore(%run_scoped3A : memref<!tpu.dma_semaphore, #tpu.memory_space<semaphore_mem>>)
      %dma_wait3A = tpu.memref_slice %arg7[%mul3A_2] : memref<350208xf32, #tpu.memory_space<hbm>> -> memref<10944xf32, #tpu.memory_space<hbm>>
      %dma_wait3A_10 = tpu.memref_slice %arg7[%mul3A_2] : memref<350208xf32, #tpu.memory_space<hbm>> -> memref<10944xf32, #tpu.memory_space<hbm>>
      tpu.wait_dma2 semaphore(%run_scoped3A : memref<!tpu.dma_semaphore, #tpu.memory_space<semaphore_mem>>) src(%arg13 : memref<10944xf32, #tpu.memory_space<vmem>>) dst(%dma_wait3A_10 : memref<10944xf32, #tpu.memory_space<hbm>>)
      tpu.yield
    }) : () -> ()
    return
  }
}

module attributes {stable_mosaic.version = 14 : i64} {
  func.func @_knn_kernel(%arg0: i32, %arg1: memref<512x128xf32, #tpu.memory_space<vmem>>, %arg2: memref<128x7168xbf16, #tpu.memory_space<vmem>>, %arg3: memref<8x7168xf32, #tpu.memory_space<vmem>>, %arg4: memref<512x64xi32, #tpu.memory_space<vmem>>, %arg5: memref<512x7168xf32, #tpu.memory_space<vmem>>) attributes {dimension_semantics = [#tpu.dimension_semantics<arbitrary>], iteration_bounds = array<i64: 14>, scalar_prefetch = 0 : i64, scratch_operands = 1 : i64, tpu.core_type = #tpu.core_type<tc>, window_params = [{transform_indices = @transform_0, window_bounds = array<i64: 512, 128>}, {pipeline_mode = #tpu.pipeline_mode<synchronous>, transform_indices = @transform_1, window_bounds = array<i64: 128, 7168>}, {pipeline_mode = #tpu.pipeline_mode<synchronous>, transform_indices = @transform_2, window_bounds = array<i64: 8, 7168>}, {transform_indices = @transform_3, window_bounds = array<i64: 512, 64>}]} {
    %get3A = arith.constant 0 : index
    %get3A_0 = arith.constant 0 : index
    %get3A_1 = vector.load %arg1[%get3A, %get3A_0] : memref<512x128xf32, #tpu.memory_space<vmem>>, vector<512x128xf32>
    %mul3A = arith.mulf %get3A_1, %get3A_1 : vector<512x128xf32>
    %reduce_sum3A = arith.constant dense<0.000000e+00> : vector<512xf32>
    %reduce_sum3A_2 = vector.multi_reduction <add>, %mul3A, %reduce_sum3A [1] : vector<512x128xf32> to vector<512xf32>
    %broadcast_in_dim3A = vector.shape_cast %reduce_sum3A_2 : vector<512xf32> to vector<512x1xf32>
    %convert_element_type3A = arith.truncf %get3A_1 : vector<512x128xf32> to vector<512x128xbf16>
    %get3A_3 = arith.constant 0 : index
    %get3A_4 = arith.constant 0 : index
    %get3A_5 = vector.load %arg2[%get3A_3, %get3A_4] : memref<128x7168xbf16, #tpu.memory_space<vmem>>, vector<128x7168xbf16>
    %dot_general3A = arith.constant dense<0.000000e+00> : vector<512x7168xf32>
    %dot_general3A_6 = tpu.matmul %convert_element_type3A, %get3A_5, %dot_general3A {dimension_numbers = #tpu.dot_dimension_numbers<[1], [0], [0], [1], [0, 0, 1, 1], [], []>, transpose_lhs_hint = false} : vector<512x128xbf16>, vector<128x7168xbf16>, vector<512x7168xf32> -> vector<512x7168xf32>
    %get3A_7 = arith.constant 0 : index
    %get3A_8 = arith.constant 0 : index
    %get3A_9 = vector.load %arg3[%get3A_7, %get3A_8] : memref<8x7168xf32, #tpu.memory_space<vmem>>, vector<1x7168xf32>
    %add3A = vector.broadcast %broadcast_in_dim3A : vector<512x1xf32> to vector<512x7168xf32>
    %add3A_10 = vector.broadcast %get3A_9 : vector<1x7168xf32> to vector<512x7168xf32>
    %add3A_11 = arith.addf %add3A, %add3A_10 : vector<512x7168xf32>
    %mul3A_12 = arith.constant 2.000000e+00 : f32
    %mul3A_13 = vector.broadcast %mul3A_12 : f32 to vector<512x7168xf32>
    %mul3A_14 = arith.mulf %mul3A_13, %dot_general3A_6 : vector<512x7168xf32>
    %sub3A = arith.subf %add3A_11, %mul3A_14 : vector<512x7168xf32>
    %iota3A = tpu.iota {dimensions = array<i32: 1>} : vector<512x7168xi32>
    %iota3A_15 = tpu.iota {dimensions = array<i32: 0>} : vector<512x7168xi32>
    %mul3A_16 = arith.constant 512 : i32
    %mul3A_17 = arith.muli %arg0, %mul3A_16 : i32
    %add3A_18 = vector.broadcast %mul3A_17 : i32 to vector<512x7168xi32>
    %add3A_19 = arith.addi %iota3A_15, %add3A_18 : vector<512x7168xi32>
    %eq3A = arith.cmpi eq, %iota3A, %add3A_19 : vector<512x7168xi32>
    %ge3A = arith.constant 7000 : i32
    %ge3A_20 = vector.broadcast %ge3A : i32 to vector<512x7168xi32>
    %ge3A_21 = arith.cmpi sge, %iota3A, %ge3A_20 : vector<512x7168xi32>
    %or3A = arith.ori %eq3A, %ge3A_21 : vector<512x7168xi1>
    %jit3A = arith.constant 0x7F800000 : f32
    %broadcast_in_dim3A_22 = vector.broadcast %jit3A : f32 to vector<512x7168xf32>
    %select_n3A = arith.select %or3A, %broadcast_in_dim3A_22, %sub3A : vector<512x7168xi1>, vector<512x7168xf32>
    %swap3A = arith.constant 0 : index
    %swap3A_23 = arith.constant 0 : index
    %swap3A_24 = vector.load %arg5[%swap3A, %swap3A_23] : memref<512x7168xf32, #tpu.memory_space<vmem>>, vector<512x7168xf32>
    tpu.vector_store %arg5[%swap3A, %swap3A_23], %select_n3A {strides = array<i32>} : memref<512x7168xf32, #tpu.memory_space<vmem>>, vector<512x7168xf32>,
    %iota3A_25 = tpu.iota {dimensions = array<i32: 1>} : vector<512x64xi32>
    %broadcast_in_dim3A_26 = arith.constant 0xFF800000 : f32
    %broadcast_in_dim3A_27 = vector.broadcast %broadcast_in_dim3A_26 : f32 to vector<512x1xf32>
    %broadcast_in_dim3A_28 = arith.constant -1 : i32
    %broadcast_in_dim3A_29 = vector.broadcast %broadcast_in_dim3A_28 : i32 to vector<512x1xi32>
    %broadcast_in_dim3A_30 = arith.constant 0 : i32
    %broadcast_in_dim3A_31 = vector.broadcast %broadcast_in_dim3A_30 : i32 to vector<512x64xi32>
    %scan3A = arith.constant 0 : i32
    %scan3A_32 = arith.constant 50 : i32
    %scan3A_33 = arith.addi %scan3A, %scan3A_32 : i32
    %scan3A_34 = arith.constant 1 : i32
    %scan3A_35:3 = scf.for %scan3A_40 = %scan3A to %scan3A_33 step %scan3A_34 iter_args(%scan3A_41 = %broadcast_in_dim3A_27, %scan3A_42 = %broadcast_in_dim3A_29, %scan3A_43 = %broadcast_in_dim3A_31) -> (vector<512x1xf32>, vector<512x1xi32>, vector<512x64xi32>)  : i32 {
      %get3A_44 = arith.constant 0 : index
      %get3A_45 = arith.constant 0 : index
      %get3A_46 = vector.load %arg5[%get3A_44, %get3A_45] : memref<512x7168xf32, #tpu.memory_space<vmem>>, vector<512x7168xf32>
      %eq3A_47 = vector.broadcast %scan3A_41 : vector<512x1xf32> to vector<512x7168xf32>
      %eq3A_48 = arith.cmpf oeq, %get3A_46, %eq3A_47 : vector<512x7168xf32>
      %eq3A_49 = vector.broadcast %scan3A_42 : vector<512x1xi32> to vector<512x7168xi32>
      %eq3A_50 = arith.cmpi eq, %iota3A, %eq3A_49 : vector<512x7168xi32>
      %and3A = arith.andi %eq3A_48, %eq3A_50 : vector<512x7168xi1>
      %jit3A_51 = arith.constant 0x7F800000 : f32
      %broadcast_in_dim3A_52 = vector.broadcast %jit3A_51 : f32 to vector<512x7168xf32>
      %select_n3A_53 = arith.select %and3A, %broadcast_in_dim3A_52, %get3A_46 : vector<512x7168xi1>, vector<512x7168xf32>
      %swap3A_54 = arith.constant 0 : index
      %swap3A_55 = arith.constant 0 : index
      %swap3A_56 = vector.load %arg5[%swap3A_54, %swap3A_55] : memref<512x7168xf32, #tpu.memory_space<vmem>>, vector<512x7168xf32>
      tpu.vector_store %arg5[%swap3A_54, %swap3A_55], %select_n3A_53 {strides = array<i32>} : memref<512x7168xf32, #tpu.memory_space<vmem>>, vector<512x7168xf32>,
      %reduce_min3A = arith.constant dense<0x7F800000> : vector<512xf32>
      %reduce_min3A_57 = vector.multi_reduction <minimumf>, %select_n3A_53, %reduce_min3A [1] : vector<512x7168xf32> to vector<512xf32>
      %broadcast_in_dim3A_58 = vector.shape_cast %reduce_min3A_57 : vector<512xf32> to vector<512x1xf32>
      %eq3A_59 = vector.broadcast %broadcast_in_dim3A_58 : vector<512x1xf32> to vector<512x7168xf32>
      %eq3A_60 = arith.cmpf oeq, %select_n3A_53, %eq3A_59 : vector<512x7168xf32>
      %jit3A_61 = arith.constant 7168 : i32
      %broadcast_in_dim3A_62 = vector.broadcast %jit3A_61 : i32 to vector<512x7168xi32>
      %select_n3A_63 = arith.select %eq3A_60, %iota3A, %broadcast_in_dim3A_62 : vector<512x7168xi1>, vector<512x7168xi32>
      %reduce_min3A_64 = arith.constant dense<2147483647> : vector<512xi32>
      %reduce_min3A_65 = vector.multi_reduction <minsi>, %select_n3A_63, %reduce_min3A_64 [1] : vector<512x7168xi32> to vector<512xi32>
      %broadcast_in_dim3A_66 = vector.shape_cast %reduce_min3A_65 : vector<512xi32> to vector<512x1xi32>
      %eq3A_67 = vector.broadcast %scan3A_40 : i32 to vector<512x64xi32>
      %eq3A_68 = arith.cmpi eq, %iota3A_25, %eq3A_67 : vector<512x64xi32>
      %broadcast_in_dim3A_69 = vector.shape_cast %broadcast_in_dim3A_66 : vector<512x1xi32> to vector<512x1xi32>
      %broadcast_in_dim3A_70 = vector.broadcast %broadcast_in_dim3A_69 : vector<512x1xi32> to vector<512x64xi32>
      %select_n3A_71 = arith.select %eq3A_68, %broadcast_in_dim3A_70, %scan3A_43 : vector<512x64xi1>, vector<512x64xi32>
      scf.yield %broadcast_in_dim3A_58, %broadcast_in_dim3A_66, %select_n3A_71 : vector<512x1xf32>, vector<512x1xi32>, vector<512x64xi32>
    }
    %scan3A_36 = arith.constant 50 : i32
    %swap3A_37 = arith.constant 0 : index
    %swap3A_38 = arith.constant 0 : index
    %swap3A_39 = vector.load %arg4[%swap3A_37, %swap3A_38] : memref<512x64xi32, #tpu.memory_space<vmem>>, vector<512x64xi32>
    tpu.vector_store %arg4[%swap3A_37, %swap3A_38], %scan3A_35#2 {strides = array<i32>} : memref<512x64xi32, #tpu.memory_space<vmem>>, vector<512x64xi32>,
    return
  }
  func.func @transform_0(%arg0: i32) -> (i32, i32) {
    %c0_i32 = arith.constant 0 : i32
    %c0_i32_0 = arith.constant 0 : i32
    return %arg0, %c0_i32 : i32, i32
  }
  func.func @transform_1(%arg0: i32) -> (i32, i32) {
    %c0_i32 = arith.constant 0 : i32
    %c0_i32_0 = arith.constant 0 : i32
    %c0_i32_1 = arith.constant 0 : i32
    return %c0_i32, %c0_i32_0 : i32, i32
  }
  func.func @transform_2(%arg0: i32) -> (i32, i32) {
    %c0_i32 = arith.constant 0 : i32
    %c0_i32_0 = arith.constant 0 : i32
    %c0_i32_1 = arith.constant 0 : i32
    return %c0_i32, %c0_i32_0 : i32, i32
  }
  func.func @transform_3(%arg0: i32) -> (i32, i32) {
    %c0_i32 = arith.constant 0 : i32
    %c0_i32_0 = arith.constant 0 : i32
    return %arg0, %c0_i32 : i32, i32
  }
}

module attributes {stable_mosaic.version = 14 : i64} {
  func.func @_rbf_kernel(%arg0: memref<2736x128xf32, #tpu.memory_space<vmem>>, %arg1: memref<2736x128xf32, #tpu.memory_space<vmem>>, %arg2: memref<2736x128xf32, #tpu.memory_space<vmem>>, %arg3: memref<2736x128xf32, #tpu.memory_space<vmem>>, %arg4: memref<2736x128xf32, #tpu.memory_space<vmem>>, %arg5: memref<2736x128xf32, #tpu.memory_space<vmem>>) attributes {dimension_semantics = [], scalar_prefetch = 0 : i64, scratch_operands = 0 : i64, tpu.core_type = #tpu.core_type<tc>} {
    %get3A = arith.constant 0 : index
    %get3A_0 = arith.constant 0 : index
    %get3A_1 = vector.load %arg0[%get3A, %get3A_0] : memref<2736x128xf32, #tpu.memory_space<vmem>>, vector<2736x128xf32>
    %add3A = arith.constant 9.99999996E-13 : f32
    %add3A_2 = vector.broadcast %add3A : f32 to vector<2736x128xf32>
    %add3A_3 = arith.addf %get3A_1, %add3A_2 : vector<2736x128xf32>
    %sqrt3A = math.sqrt %add3A_3 : vector<2736x128xf32>
    %sub3A = arith.constant 0.000000e+00 : f32
    %sub3A_4 = vector.broadcast %sub3A : f32 to vector<2736x128xf32>
    %sub3A_5 = arith.subf %sqrt3A, %sub3A_4 : vector<2736x128xf32>
    %integer_pow3A = arith.mulf %sub3A_5, %sub3A_5 : vector<2736x128xf32>
    %neg3A = arith.constant 0.000000e+00 : f32
    %neg3A_6 = vector.broadcast %neg3A : f32 to vector<2736x128xf32>
    %neg3A_7 = arith.subf %neg3A_6, %integer_pow3A : vector<2736x128xf32>
    %div3A = arith.constant 3.125000e+00 : f32
    %div3A_8 = vector.broadcast %div3A : f32 to vector<2736x128xf32>
    %div3A_9 = arith.divf %neg3A_7, %div3A_8 : vector<2736x128xf32>
    %exp3A = math.exp %div3A_9 : vector<2736x128xf32>
    %swap3A = arith.constant 0 : index
    %swap3A_10 = arith.constant 0 : index
    %swap3A_11 = vector.load %arg1[%swap3A, %swap3A_10] : memref<2736x128xf32, #tpu.memory_space<vmem>>, vector<2736x128xf32>
    tpu.vector_store %arg1[%swap3A, %swap3A_10], %exp3A {strides = array<i32>} : memref<2736x128xf32, #tpu.memory_space<vmem>>, vector<2736x128xf32>,
    %sub3A_12 = arith.constant 1.250000e+00 : f32
    %sub3A_13 = vector.broadcast %sub3A_12 : f32 to vector<2736x128xf32>
    %sub3A_14 = arith.subf %sqrt3A, %sub3A_13 : vector<2736x128xf32>
    %integer_pow3A_15 = arith.mulf %sub3A_14, %sub3A_14 : vector<2736x128xf32>
    %neg3A_16 = arith.constant 0.000000e+00 : f32
    %neg3A_17 = vector.broadcast %neg3A_16 : f32 to vector<2736x128xf32>
    %neg3A_18 = arith.subf %neg3A_17, %integer_pow3A_15 : vector<2736x128xf32>
    %div3A_19 = arith.constant 3.125000e+00 : f32
    %div3A_20 = vector.broadcast %div3A_19 : f32 to vector<2736x128xf32>
    %div3A_21 = arith.divf %neg3A_18, %div3A_20 : vector<2736x128xf32>
    %exp3A_22 = math.exp %div3A_21 : vector<2736x128xf32>
    %swap3A_23 = arith.constant 0 : index
    %swap3A_24 = arith.constant 0 : index
    %swap3A_25 = vector.load %arg2[%swap3A_23, %swap3A_24] : memref<2736x128xf32, #tpu.memory_space<vmem>>, vector<2736x128xf32>
    tpu.vector_store %arg2[%swap3A_23, %swap3A_24], %exp3A_22 {strides = array<i32>} : memref<2736x128xf32, #tpu.memory_space<vmem>>, vector<2736x128xf32>,
    %sub3A_26 = arith.constant 2.500000e+00 : f32
    %sub3A_27 = vector.broadcast %sub3A_26 : f32 to vector<2736x128xf32>
    %sub3A_28 = arith.subf %sqrt3A, %sub3A_27 : vector<2736x128xf32>
    %integer_pow3A_29 = arith.mulf %sub3A_28, %sub3A_28 : vector<2736x128xf32>
    %neg3A_30 = arith.constant 0.000000e+00 : f32
    %neg3A_31 = vector.broadcast %neg3A_30 : f32 to vector<2736x128xf32>
    %neg3A_32 = arith.subf %neg3A_31, %integer_pow3A_29 : vector<2736x128xf32>
    %div3A_33 = arith.constant 3.125000e+00 : f32
    %div3A_34 = vector.broadcast %div3A_33 : f32 to vector<2736x128xf32>
    %div3A_35 = arith.divf %neg3A_32, %div3A_34 : vector<2736x128xf32>
    %exp3A_36 = math.exp %div3A_35 : vector<2736x128xf32>
    %swap3A_37 = arith.constant 0 : index
    %swap3A_38 = arith.constant 0 : index
    %swap3A_39 = vector.load %arg3[%swap3A_37, %swap3A_38] : memref<2736x128xf32, #tpu.memory_space<vmem>>, vector<2736x128xf32>
    tpu.vector_store %arg3[%swap3A_37, %swap3A_38], %exp3A_36 {strides = array<i32>} : memref<2736x128xf32, #tpu.memory_space<vmem>>, vector<2736x128xf32>,
    %sub3A_40 = arith.constant 3.750000e+00 : f32
    %sub3A_41 = vector.broadcast %sub3A_40 : f32 to vector<2736x128xf32>
    %sub3A_42 = arith.subf %sqrt3A, %sub3A_41 : vector<2736x128xf32>
    %integer_pow3A_43 = arith.mulf %sub3A_42, %sub3A_42 : vector<2736x128xf32>
    %neg3A_44 = arith.constant 0.000000e+00 : f32
    %neg3A_45 = vector.broadcast %neg3A_44 : f32 to vector<2736x128xf32>
    %neg3A_46 = arith.subf %neg3A_45, %integer_pow3A_43 : vector<2736x128xf32>
    %div3A_47 = arith.constant 3.125000e+00 : f32
    %div3A_48 = vector.broadcast %div3A_47 : f32 to vector<2736x128xf32>
    %div3A_49 = arith.divf %neg3A_46, %div3A_48 : vector<2736x128xf32>
    %exp3A_50 = math.exp %div3A_49 : vector<2736x128xf32>
    %swap3A_51 = arith.constant 0 : index
    %swap3A_52 = arith.constant 0 : index
    %swap3A_53 = vector.load %arg4[%swap3A_51, %swap3A_52] : memref<2736x128xf32, #tpu.memory_space<vmem>>, vector<2736x128xf32>
    tpu.vector_store %arg4[%swap3A_51, %swap3A_52], %exp3A_50 {strides = array<i32>} : memref<2736x128xf32, #tpu.memory_space<vmem>>, vector<2736x128xf32>,
    %sub3A_54 = arith.constant 5.000000e+00 : f32
    %sub3A_55 = vector.broadcast %sub3A_54 : f32 to vector<2736x128xf32>
    %sub3A_56 = arith.subf %sqrt3A, %sub3A_55 : vector<2736x128xf32>
    %integer_pow3A_57 = arith.mulf %sub3A_56, %sub3A_56 : vector<2736x128xf32>
    %neg3A_58 = arith.constant 0.000000e+00 : f32
    %neg3A_59 = vector.broadcast %neg3A_58 : f32 to vector<2736x128xf32>
    %neg3A_60 = arith.subf %neg3A_59, %integer_pow3A_57 : vector<2736x128xf32>
    %div3A_61 = arith.constant 3.125000e+00 : f32
    %div3A_62 = vector.broadcast %div3A_61 : f32 to vector<2736x128xf32>
    %div3A_63 = arith.divf %neg3A_60, %div3A_62 : vector<2736x128xf32>
    %exp3A_64 = math.exp %div3A_63 : vector<2736x128xf32>
    %swap3A_65 = arith.constant 0 : index
    %swap3A_66 = arith.constant 0 : index
    %swap3A_67 = vector.load %arg5[%swap3A_65, %swap3A_66] : memref<2736x128xf32, #tpu.memory_space<vmem>>, vector<2736x128xf32>
    tpu.vector_store %arg5[%swap3A_65, %swap3A_66], %exp3A_64 {strides = array<i32>} : memref<2736x128xf32, #tpu.memory_space<vmem>>, vector<2736x128xf32>,
    return
  }
}

</mosaic_0001>

<sc_bundles>
// kernel: gather_offload_async_start
scs
__scs_entry_jumppad:
0x0: {  	(pc) =	sbr.rel $0x88, $3  }
0x1: {  	(tag) =	ssettag $0x0;
	lr =	simm.s32 $0x1  }
0x2: {  	[smem:$0x3FA0] =	sst lr;
	_ =	strace $0xD0000000  }
0x3: {  	_ = 	snop  }
0x4: {  	_ = 	snop  }
0x5: {  	_ = 	snop  }
0x6: {  	_ = 	snop  }
0x7: {  	_ = 	snop  }
__scs_overlays_trampoline_lowered:
0x8: {  	[smem:$0x3FAF] =	sst s0  }
0x9: {  	[smem:$0x3FB0] =	sst s1  }
0xa: {  	[smem:$0x3FB1] =	sst s2  }
0xb: {  	[smem:$0x3FB2] =	sst s3  }
0xc: {  	[smem:$0x3FB3] =	sst s4  }
0xd: {  	[smem:$0x3FB4] =	sst s5  }
0xe: {  	[smem:$0x3FB5] =	sst s6  }
0xf: {  	[smem:$0x3FB6] =	sst s7  }
0x10: {  	[smem:$0x3FB7] =	sst s8  }
0x11: {  	[smem:$0x3FB8] =	sst s9;
	s0 =	simm.s32 @!p0 $0x0  }
0x12: {  	s1 =	sld [smem:$0x3F9E];
	s0 =	simm.s32 @p0 $0x1  }
0x13: {  	[smem:$0x3FB9] =	sst s0;
	s0 =	simm.s32 @!p1 $0x0  }
0x14: {  	s2 =	sld [smem:$0x3F9D];
	s0 =	simm.s32 @p1 $0x1  }
0x15: {  	[smem:$0x3FBA] =	sst s0;
	s0 =	simm.s32 @!p2 $0x0  }
0x16: {  	s3 =	sld [smem:$0x3FDB];
	s0 =	simm.s32 @p2 $0x1  }
0x17: {  	s4 =	simm.s32 $0x1BF5;
	[smem:$0x3FBC] =	sst s0  }
0x18: {  	s0 =	sld [smem:$0x3F9F];
	_ =	swait.ge [sflag:s4], $0x0  }
0x19: {  	s7 =	sld [smem:$0x3FA0]  }
0x1a: {  	s8 =	sadd.s32 $0xFFFFE003, lr  }
0x1b: {  	s9 =	sadd.s32 $0xFFFFFEF7, lr;
	s5 =	simm.s32 $0xFFFFFFFF;
	p2 =	slt.u32 s8, $0xFFFFF086  }
0x1c: {  	p1 =	slt.u32 s9, $0xF7A;
	s5 =	simm.s32 @!p2 $0x0  }
0x1d: {  	s5 =	simm.s32 @p1 $0x1;
	p0 =	seq.s32 s7, s2  }
0x1e: {  	s7 =	smul.u32 @!p0 $0xF7A, s2;
	p2 =	seq.s32 @!p0 s5, $0x0  }
0x1f: {  	s9 =	smul.u32 $0xF7A, s1;
	s8 =	simm.s32 @!p0 $0x1BF5;
	p2 =	por !p2, p0  }
0x20: {  	[sflag:s8] =	ssyncset.s32 @!p0 $0xFFFFF086;
	s6 =	sadd.s32 @!p0 s3, s7;
	s7 =	simm.s32 @!p0 $0x108  }
0x21: {  	s3 =	sadd.s32 s3, s9;
	s6 =	sadd.s32 @!p0 $0x88, s6;
	s7 =	simm.s32 @p2 $0x1082  }
0x22: {  	[simem:s7], [sflag:s8] =	dma.local @!p0 [hbm:s6], $0xF7A  }
0x23: {  	s9 =	sor.u32 $0xD0000000, s2;
	s6 =	simm.s32 $0x108;
	_ =	swait.ge @!p0 [sflag:s8], $0x0  }
0x24: {  	s3 =	sadd.s32 $0x88, s3;
	s6 =	simm.s32 @!p1 $0x1082;
	[sflag:s4] =	ssyncset.s32 $0xFFFFF086  }
0x25: {  	[simem:s6], [sflag:s4] =	dma.local [hbm:s3], $0xF7A  }
0x26: {  	[smem:$0x3FA0] =	sst s1;
	(tag) =	ssettag s2;
	_ =	strace s9  }
0x27: {  	s1 =	sld [smem:$0x3FB0]  }
0x28: {  	s2 =	sld [smem:$0x3FB1]  }
0x29: {  	s4 =	sld [smem:$0x3FB3]  }
0x2a: {  	p0 =	seq.s32 s5, $0x0;
	s5 =	sld [smem:$0x3FB4]  }
0x2b: {  	s6 =	sld [smem:$0x3FB5]  }
0x2c: {  	s7 =	sld [smem:$0x3FB6]  }
0x2d: {  	s3 =	simm.s32 $0x108;
	s8 =	sld [smem:$0x3FB7]  }
0x2e: {  	s3 =	simm.s32 @!p0 $0x1082;
	s9 =	sld [smem:$0x3FB8]  }
0x2f: {  	lr =	sadd.s32 s0, s3;
	s0 =	sld [smem:$0x3FAF]  }
0x30: {  	s3 =	sld [smem:$0x3FB2]  }
0x31: {  	[smem:$0x3FBB] =	sst s10  }
0x32: {  	s10 =	sld [smem:$0x3FB9];
	_ =	sdelay $0x3  }
0x33: {  	p0 =	seq.s32 s10, $0x1;
	s10 =	sld [smem:$0x3FBB];
	_ =	sdelay $0x3  }
0x34: {  	[smem:$0x3FBB] =	sst s10  }
0x35: {  	s10 =	sld [smem:$0x3FBA];
	_ =	sdelay $0x3  }
0x36: {  	p1 =	seq.s32 s10, $0x1;
	s10 =	sld [smem:$0x3FBB];
	_ =	sdelay $0x3  }
0x37: {  	[smem:$0x3FBB] =	sst s10  }
0x38: {  	s10 =	sld [smem:$0x3FBC]  }
0x39: {  	_ = 	snop;
	(pc) =	sbr.ind lr, $3  }
0x3a: {  	_ = 	snop  }
0x3b: {  	_ = 	snop  }
0x3c: {  	p2 =	seq.s32 s10, $0x1;
	s10 =	sld [smem:$0x3FBB]  }
0x3d: {  	_ =	shalt  }
0x3e: {  	_ =	shalt  }
0x3f: {  	_ =	shalt  }
0x40: {  	_ =	shalt  }
0x41: {  	_ =	shalt  }
0x42: {  	_ =	shalt  }
0x43: {  	_ =	shalt  }
0x44: {  	_ =	shalt  }
0x45: {  	_ =	shalt  }
0x46: {  	_ =	shalt  }
0x47: {  	_ =	shalt  }
0x48: {  	_ =	shalt  }
0x49: {  	_ =	shalt  }
0x4a: {  	_ =	shalt  }
0x4b: {  	_ =	shalt  }
0x4c: {  	_ =	shalt  }
0x4d: {  	_ =	shalt  }
0x4e: {  	_ =	shalt  }
0x4f: {  	_ =	shalt  }
0x50: {  	_ =	shalt  }
0x51: {  	_ =	shalt  }
0x52: {  	_ =	shalt  }
0x53: {  	_ =	shalt  }
0x54: {  	_ =	shalt  }
0x55: {  	_ =	shalt  }
0x56: {  	_ =	shalt  }
0x57: {  	_ =	shalt  }
0x58: {  	_ =	shalt  }
0x59: {  	_ =	shalt  }
0x5a: {  	_ =	shalt  }
0x5b: {  	_ =	shalt  }
0x5c: {  	_ =	shalt  }
0x5d: {  	_ =	shalt  }
0x5e: {  	_ =	shalt  }
0x5f: {  	_ =	shalt  }
0x60: {  	_ =	shalt  }
0x61: {  	_ =	shalt  }
0x62: {  	_ =	shalt  }
0x63: {  	_ =	shalt  }
0x64: {  	_ =	shalt  }
0x65: {  	_ =	shalt  }
0x66: {  	_ =	shalt  }
0x67: {  	_ =	shalt  }
0x68: {  	_ =	shalt  }
0x69: {  	_ =	shalt  }
0x6a: {  	_ =	shalt  }
0x6b: {  	_ =	shalt  }
0x6c: {  	_ =	shalt  }
0x6d: {  	_ =	shalt  }
0x6e: {  	_ =	shalt  }
0x6f: {  	_ =	shalt  }
0x70: {  	_ =	shalt  }
0x71: {  	_ =	shalt  }
0x72: {  	_ =	shalt  }
0x73: {  	_ =	shalt  }
0x74: {  	_ =	shalt  }
0x75: {  	_ =	shalt  }
0x76: {  	_ =	shalt  }
0x77: {  	_ =	shalt  }
0x78: {  	_ =	shalt  }
0x79: {  	_ =	shalt  }
0x7a: {  	_ =	shalt  }
0x7b: {  	_ =	shalt  }
0x7c: {  	_ =	shalt  }
0x7d: {  	_ =	shalt  }
0x7e: {  	_ =	shalt  }
0x7f: {  	_ =	shalt  }
0x80: {  	_ =	shalt  }
0x81: {  	_ =	shalt  }
0x82: {  	_ =	shalt  }
0x83: {  	_ =	shalt  }
0x84: {  	_ =	shalt  }
0x85: {  	_ =	shalt  }
0x86: {  	_ =	shalt  }
0x87: {  	_ =	shalt  }
.Lfunc_end0:
.L_simem_size_0:
called_computation_lowered:
.L_overlay_start_0:
0x88: {  	s0 =	sld [smem:$0x3FD9]  }
0x89: {  	s1 =	sld [smem:$0x3FFE];
	_ =	sdelay $0x3  }
0x8a: {  	s0 =	sadd.s32 s1, s0  }
0x8b: {  	[smem:$0x3FC7] =	sst s0  }
0x8c: {  	_ = 	snop  }
0x8d: {  	s0 =	sld [smem:$0x3FD0];
	_ =	sdelay $0x2  }
0x8e: {  	s13 =	simm.s32 $0xA;
	s2 =	simm.s32 $0x10  }
0x8f: {  	[smem:s2], [sflag:s13] =	dma.local [hbm:s0], $0x1  }
0x90: {  	_ =	swait.eq [sflag:s13], $0x1  }
0x91: {  	[sflag:s13] =	ssyncset.done $0x0  }
0x92: {  	s14 =	sld [smem:$0x10];
	[sflag:s13] =	ssyncadd.s32 $0xFFFFFFFF  }
0x93: {  	s15 =	sld [smem:$0x11];
	(tm) =	ssettm $0x1  }
0x94: {  	s16 =	sld [smem:$0x3FFB];
	_ =	sdelay $0x3  }
0x95: {  	_ =	strace s16  }
0x96: {  	s2 =	sld [smem:$0x3FFC];
	_ =	sdelay $0x3  }
0x97: {  	_ =	strace s2  }
0x98: {  	s2 =	sld [smem:$0x3FFD];
	_ =	sdelay $0x3  }
0x99: {  	_ =	strace s2  }
0x9a: {  	_ =	strace $0x8FFFFFFF  }
0x9b: {  	s17 =	sld [smem:$0x3FDB];
	_ =	sdelay $0x1  }
0x9c: {  	s3 =	simm.s32 $_scs_section_size  }
0x9d: {  	s4 =	simm.s32 $_size__tile_overlayer_lowered;
	s5 =	simm.s32 $_tile_overlayer_lowered  }
0x9e: {  	s20 =	simm.s32 $0x1BFF;
	s19 =	sshll.u32 s5, $0x1;
	s2 =	sadd.s32 s3, s17  }
0x9f: {  	s6 =	simm.s32 $0x0;
	s18 =	sshll.u32 s4, $0x1;
	s4 =	sadd.s32 s19, s2  }
0xa0: {  	[timem:s6], [sflag:s20] =	dma.local [hbm:s4], s18  }
0xa1: {  	_ =	swait.ge [sflag:s20], s18  }
0xa2: {  	s3 =	ssub.s32 $0x0, s18;
	[sflag:s20] =	ssyncset.done $0x0  }
0xa3: {  	[sflag:s20] =	ssyncadd.s32 s3;
	_ =	sdelay $0x1  }
0xa4: {  	s21 =	simm.s32 $0x1B8B  }
0xa5: {  	_ =	swait.ge [sflag:s21], $0x1  }
0xa6: {  	[sflag:s21] =	ssyncset.done $0x0  }
0xa7: {  	s23 =	simm.s32 $0x1B8E;
	s22 =	sld [smem:$0x3FFE];
	[sflag:s21] =	ssyncadd.s32 $0xFFFFFFFF  }
0xa8: {  	s24 =	simm.s32 $execute0_lowered;
	[smem:$0x3FD2] =	sst s23  }
0xa9: {  	s4 =	sshll.u32 s24, $0x1;
	_ =	strace $0x80000046;
	[dreg:$0x1] =	wrdreg $0xFFFFFFFF  }
0xaa: {  	s25 =	simm.s32 $_size_execute0_lowered;
	s2 =	sadd.s32 s2, s4;
	[dreg:$0x0] =	wrdreg $0x0  }
0xab: {  	s4 =	sshll.u32 s25, $0x1;
	[dreg:$0x2] =	wrdreg s2  }
0xac: {  	[dreg:$0x3] =	wrdreg s4  }
0xad: {  	[dreg:$0x4] =	wrdreg $0xC0  }
0xae: {  	_ =	task [dreg:s6], $0x5FFFF  }
0xaf: {  	[dreg:$0x1] =	wrdreg $0xFFFFFFFF  }
0xb0: {  	[dreg:$0x0] =	wrdreg $0x60  }
0xb1: {  	[dreg:$0x2] =	wrdreg s14  }
0xb2: {  	[dreg:$0x3] =	wrdreg s22  }
0xb3: {  	[dreg:$0x4] =	wrdreg s15  }
0xb4: {  	[dreg:$0x5] =	wrdreg $0x9  }
0xb5: {  	_ =	task.clear_ibuf [dreg:s6], $0x6FFFF;
	_ =	strace $0x90000046  }
0xb6: {  	s26 =	simm.s32 $0x9;
	_ =	strace $0x80000048  }
0xb7: {  	_ =	swait.ge [sflag:s26], $0x1  }
0xb8: {  	[sflag:s26] =	ssyncadd.s32 $0xFFFFFFFF  }
0xb9: {  	_ =	strace $0x90000048  }
0xba: {  	_ =	sfence  }
0xbb: {  	s28 =	sld [smem:$0x0];
	_ =	sdelay $0x1  }
0xbc: {  	s29 =	srdreg.scid  }
0xbd: {  	s30 =	sshll.u32 s29, $0xD;
	s31 =	sshrl.u32 s29, $0x2  }
0xbe: {  	s1 =	sand.u32 $0x1, s29;
	s2 =	sand.u32 $0x4000, s30;
	s0 =	sadd.s32 s31, s28  }
0xbf: {  	s1 =	sor.u32 s2, s1;
	s0 =	sshll.u32 s0, $0x11  }
0xc0: {  	s0 =	sor.u32 s0, s1  }
0xc1: {  	s0 =	sadd.s32 $0x8F2B, s0  }
0xc2: {  	[sflag:s0] =	ssyncadd.remote.s32 $0x1  }
0xc3: {  	_ =	sfence.sel $0xFFFF  }
0xc4: {  	[dreg:$0x0] =	wrdreg $0xFFFFFFFF;
	(pc) =	sbr.abs _section_cstart, $3  }
0xc5: {  	[dreg:$0x1] =	wrdreg $0xFFFFFFFF  }
0xc6: {  	_ =	task.clear_ibuf [dreg:s6], $0x2FFFF;
	_ =	strace $0x9FFFFFFF  }
0xc7: {  	(tm) =	ssettm $0x7FFFFFFF  }
tec
execute0_lowered:
.L_overlay_start_1:
0x0: {  	(tag) =	ssettag $0x1  }
0x1: {  	s0 =	stileid.u32  }
0x2: {  	s1 =	smin.u32 s0, $0x9  }
0x3: {  	s1 =	sadd.s32 s0, s1  }
0x4: {  	s2 =	simm.s32 $0x230;
	p0 =	slt.u32 s0, $0x9;
	s1 =	smul.u32 $0x118, s1  }
0x5: {  	s2 =	simm.s32 @!p0 $0x118  }
0x6: {  	s2 =	sadd.s32 s2, s1  }
0x7: {  	s3 =	smin.u32 s2, $0x1B58  }
0x8: {  	s8 =	ssub.s32 s3, s1  }
0x9: {  	p0 =	sgt.s32 s8, $0x0  }
0xa: {  	s8 =	simm.s32 @!p0 $0x0  }
0xb: {  	s4 =	rddreg [dreg:$0x0];
	s31 =	smul.u32 $0xEA0F, s8  }
0xc: {  	s5 =	rddreg [dreg:$0x1]  }
0xd: {  	s6 =	rddreg [dreg:$0x2];
	s7 =	simm.s32 $0x1;
	s9 =	sshrl.u32 s31, $0x18  }
0xe: {  	s11 =	simm.s32 $0x3;
	s13 =	simm.s32 $0x0;
	s10 =	smul.u32 $0x118, s9  }
.Ltmp0:
0xf: {  	s12 =	simm.s32 $0x0;
	s2 =	rddreg [dreg:$0x3];
	(pc) =	sbr.rel .LBB2_1-.Ltmp0, $4  }
0x10: {  	_ =	strace $0x80000047;
	p0 =	sne.s32 s8, s10;
	s10 =	simm.s32 $0x1  }
0x11: {  	[sflag:s7] =	ssyncpa.u1 $0x0;
	s8 =	simm.s32 $0x2;
	s10 =	simm.s32 @!p0 $0x0  }
0x12: {  	[sflag:s8] =	ssyncpa.u1 $0x0;
	p0 =	por $0x0, $0x0;
	s9 =	sadd.s32 s9, s10  }
0x13: {  	vm0 =	vmmov $0xff;
	vm1 =	vcmask $0x3F20;
	[sflag:s11] =	ssyncpa.u1 $0x0;
	s11 =	smov.u32 s1;
	s10 =	sadd.s32 $0x1, s9  }
.LBB2_6:
0x14: {  	[hbm:s17] =	stream.linear.scatter [tilespmem:s14], [sflag:$0x3], $0x400, $0x38;
	[tilespmem:$0x11A30] =	vst v63  }
.LBB2_7:
0x15: {  	s13 =	sadd.s32 $0x118, s11  }
0x16: {  	s15 =	smov.u32 s1;
	p2 =	slt.s32 s13, s3  }
0x17: {  	s15 =	smov.u32 @p2 s13;
	p2 =	sne.s32 s12, s10  }
.Ltmp1:
0x18: {  	p1 =	slt.u32 s12, $0x2;
	(pc) =	sbr.rel @!p2 .LBB2_8-.Ltmp1, $4  }
0x19: {  	s14 =	simm.s32 @!p1 $0x3  }
0x1a: {  	s16 =	sadd.s32 $0x1, s12;
	_ =	swait.ge @!p1 [sflag:s14], $0x8C00  }
0x1b: {  	p0 =	por !p0, !p0;
	s13 =	smov.u32 s11;
	[sflag:s14] =	ssyncset.done @!p1 $0x0  }
0x1c: {  	s12 =	smov.u32 s16;
	s11 =	smov.u32 s15;
	[sflag:s14] =	ssyncadd.s32 @!p1 $0xFFFF7400  }
.LBB2_1:
0x1d: {  	p1 =	sge.u32 s12, s9  }
0x1e: {  	s14 =	sxor.u32 @!p1 $0xFFFFFFFF, s12  }
0x1f: {  	s14 =	sand.u32 @!p1 $0x1, s14  }
0x20: {  	s14 =	smul.u32 @!p1 $0x460, s14  }
0x21: {  	s31 =	sadd.s32 $0xFFFFFFFF, s12;
	s15 =	sshrl.u32 @!p1 s11, $0x3  }
0x22: {  	s16 =	sand.u32 @!p1 $0x7, s11;
	s15 =	sadd.s32 @!p1 s5, s15;
	s14 =	sshrl.u32 @!p1 s14, $0x2  }
0x23: {  	[tilespmem:s14], [sflag:$0x2] =	stream.linear.gather @!p1 [hbm4b:s15+s16], $0x118, $0x38;
	[tilespmem:$0x11A30] =	vst v63  }
0x24: {  	p1 =	sge.u32 s31, s9  }
.Ltmp2:
0x25: {  	_ = 	snop;
	(pc) =	sbr.rel @p1 .LBB2_7-.Ltmp2, $1  }
0x26: {  	_ =	sdelay $0x3  }
0x27: {  	s14 =	simm.s32 $0x1  }
0x28: {  	s14 =	simm.s32 @!p0 $0x0  }
0x29: {  	s15 =	smul.u32 $0x460, s14  }
0x2a: {  	_ =	swait.ge [sflag:s8], $0x118  }
0x2b: {  	[sflag:s8] =	ssyncset.done $0x0;
	s16 =	sshrl.u32 s15, $0x2  }
0x2c: {  	[sflag:s8] =	ssyncadd.s32 $0xFFFFFEE8;
	s15 =	sadd.s32 $0x0, s16  }
0x2d: {  	v0 =	vld.msk [tilespmem:s15+$0x0 ss:$0x1], $0xffff;
	_ =	sdelay $0x4  }
0x2e: {  	vm2 =	vgt.s32 v0, $0x0  }
0x2f: {  	v0 =	vnsel vm2, $0x0, v0  }
0x30: {  	v0 =	vmin.u32 v0, $0x270F  }
0x31: {  	v0 =	vshll.u32 v0, $0x4  }
0x32: {  	s14 =	smul.u32 $0x23000, s14  }
0x33: {  	s31 =	sand.u32 $0x1, s12  }
0x34: {  	s17 =	smul.u32 $0x460, s31;
	s14 =	sshrl.u32 s14, $0x2  }
0x35: {  	s19 =	smul.u32 $0x23000, s31;
	s14 =	sor.u32 $0x230, s14  }
0x36: {  	[tilespmem:s14], [sflag:$0x1] =	stream.indirect_vreg.gather [hbm:s4], $0x80, v0, vm0, $0x38;
	[tilespmem:$0x11A30] =	vst v63  }
0x37: {  	s18 =	sshrl.u32 s17, $0x2;
	s20 =	sadd.s32 $0x10, s16;
	s15 =	sadd.s32 $0x400, s14  }
0x38: {  	[tilespmem:s15], [sflag:$0x1] =	stream.indirect_vreg.gather [hbm:s4], $0x80, v0, vm1, $0x38;
	[tilespmem:$0x11A30] =	vst v63  }
0x39: {  	s17 =	sshrl.u32 s19, $0x2;
	s19 =	smov.u32 s14;
	v0 =	vld.msk [tilespmem:s20+$0x0 ss:$0x1], $0xffff;
	s20 =	simm.s32 $0x80  }
.LBB2_3:
0x3a: {  	p1 =	sne.s32 s20, $0x400;
	_ =	sdelay $0x4  }
0x3b: {  	vm2 =	vgt.s32 v0, $0x0  }
0x3c: {  	v0 =	vnsel vm2, $0x0, v0  }
0x3d: {  	v0 =	vmin.u32 v0, $0x270F  }
0x3e: {  	v0 =	vshll.u32 v0, $0x4;
	_ =	sdelay $0x3  }
.Ltmp3:
0x3f: {  	s21 =	sshra.s32 s20, $0x2;
	s19 =	sadd.s32 $0x800, s19;
	(pc) =	sbr.rel @p1 .LBB2_3-.Ltmp3, $4  }
0x40: {  	[tilespmem:s19], [sflag:$0x1] =	stream.indirect_vreg.gather [hbm:s4], $0x80, v0, vm0, $0x38;
	[tilespmem:$0x11A30] =	vst v63  }
0x41: {  	s21 =	sadd.s32 s21, s16;
	s22 =	sadd.s32 $0x400, s19  }
0x42: {  	[tilespmem:s22], [sflag:$0x1] =	stream.indirect_vreg.gather [hbm:s4], $0x80, v0, vm1, $0x38;
	[tilespmem:$0x11A30] =	vst v63  }
0x43: {  	s20 =	sadd.s32 $0x40, s20;
	v0 =	vld.msk [tilespmem:s21+$0x0 ss:$0x1], $0xffff  }
0x44: {  	_ =	sdelay $0x3  }
0x45: {  	vm2 =	vgt.s32 v0, $0x0  }
0x46: {  	v0 =	vnsel vm2, $0x0, v0  }
0x47: {  	v0 =	vmin.u32 v0, $0x270F  }
0x48: {  	v0 =	vshll.u32 v0, $0x4;
	_ =	sdelay $0x3  }
0x49: {  	s16 =	sadd.s32 $0x800, s19  }
0x4a: {  	[tilespmem:s16], [sflag:$0x1] =	stream.indirect_vreg.gather [hbm:s4], $0x80, v0, vm0, $0x38;
	[tilespmem:$0x11A30] =	vst v63  }
0x4b: {  	s16 =	sadd.s32 $0x400, s16  }
0x4c: {  	[tilespmem:s16], [sflag:$0x1] =	stream.indirect_vreg.gather [hbm:s4], $0x80, v0, vm1, $0x38;
	[tilespmem:$0x11A30] =	vst v63  }
0x4d: {  	v0 =	vld.msk [tilespmem:s18+$0x110 ss:$0x1], $0xff;
	_ =	sdelay $0x4  }
0x4e: {  	vm2 =	vgt.s32 v0, $0x0  }
0x4f: {  	v0 =	vnsel vm2, $0x0, v0  }
0x50: {  	v0 =	vmin.u32 v0, $0x270F  }
0x51: {  	v0 =	vshll.u32 v0, $0x4;
	_ =	sdelay $0x3  }
0x52: {  	s31 =	sadd.s32 $0x8A30, s17  }
0x53: {  	[tilespmem:s31], [sflag:$0x1] =	stream.indirect_vreg.gather [hbm:s4], $0x80, v0, vm0, $0x38;
	[tilespmem:$0x11A30] =	vst v63  }
0x54: {  	s13 =	sshll.u32 s13, $0x4;
	_ =	swait.ge [sflag:s7], $0x8C00  }
0x55: {  	s13 =	sadd.s32 s13, s6;
	[sflag:s7] =	ssyncset.done $0x0  }
0x56: {  	s17 =	sadd.s32 $0x0, s13;
	s16 =	simm.s32 $0x80;
	[sflag:s7] =	ssyncadd.s32 $0xFFFF7400  }
.LBB2_5:
0x57: {  	[hbm:s17] =	stream.linear.scatter [tilespmem:s14], [sflag:$0x3], $0x400, $0x38;
	[tilespmem:$0x11A30] =	vst v63  }
0x58: {  	s17 =	smov.u32 s16;
	s14 =	smov.u32 s15;
	p1 =	sne.s32 s16, $0x1100  }
.Ltmp4:
0x59: {  	s16 =	sadd.s32 $0x80, s16;
	(pc) =	sbr.rel @p1 .LBB2_5-.Ltmp4, $2  }
0x5a: {  	_ =	sdelay $0x2  }
0x5b: {  	s15 =	sadd.s32 $0x400, s15;
	s17 =	sadd.s32 s17, s13  }
.Ltmp5:
0x5c: {  	_ = 	snop;
	(pc) =	sbr.rel .LBB2_6-.Ltmp5, $1  }
0x5d: {  	_ =	sdelay $0x3  }
.LBB2_8:
0x5e: {  	_ =	sfence.sel $0x180000  }
0x5f: {  	s1 =	simm.s32 $0x2;
	[bflag:$0x0] =	sbarrier.arrive $0xFFFF  }
0x60: {  	s30 =	simm.s32 $0x3;
	[sflag:s1] =	ssyncpa.u1 $0x1  }
0x61: {  	s31 =	simm.s32 $0x1;
	[sflag:s30] =	ssyncpa.u1 $0x1  }
0x62: {  	[sflag:s31] =	ssyncpa.u1 $0x1  }
0x63: {  	p0 =	sne.s32 s0, $0x0;
	_ =	strace $0x90000047  }
0x64: {  	s0 =	sadd.s32 @!p0 $0x100000, s2;
	[bflag:$0x2] =	sbarrier.arrive $0xFFFF  }
0x65: {  	[sflag:s0] =	ssyncadd.tile.s32 @!p0 $0x1;
	_ =	shalt  }
.Lfunc_end2:
_tile_overlayer_lowered:
.L_overlay_start_2:
0x66: {  	(tag) =	ssettag $0x2  }
0x67: {  	s0 =	rddreg [dreg:$0x0];
	s2 =	stileid.u32  }
0x68: {  	s1 =	rddreg [dreg:$0x1];
	p0 =	sne.s32 s2, $0x0  }
0x69: {  	s3 =	rddreg [dreg:$0x2];
	[bflag:$0x3] =	sbarrier.arrive $0xFFFF;
	s2 =	simm.s32 @!p0 $0x1C01  }
0x6a: {  	[timem:s3], [sflag:s2] =	dma.local @!p0 [hbm:s0], s1  }
0x6b: {  	s0 =	simm.s32 @!p0 $0x1  }
0x6c: {  	_ =	swait.ge @!p0 [sflag:s0], s1  }
0x6d: {  	s1 =	ssub.s32 @!p0 $0x0, s1;
	[sflag:s0] =	ssyncset.done @!p0 $0x0  }
0x6e: {  	[sflag:s0] =	ssyncadd.s32 @!p0 s1  }
0x6f: {  	[bflag:$0x3] =	sbarrier.arrive $0xFFFF  }
0x70: {  	_ =	shalt  }

// kernel: kernel.5.cloned.1.call-start
scs
__scs_entry_jumppad:
0x0: {  	(pc) =	sbr.rel $0x88, $3  }
0x1: {  	(tag) =	ssettag $0x0;
	lr =	simm.s32 $0x1  }
0x2: {  	[smem:$0x3FA0] =	sst lr;
	_ =	strace $0xD0000000  }
0x3: {  	_ = 	snop  }
0x4: {  	_ = 	snop  }
0x5: {  	_ = 	snop  }
0x6: {  	_ = 	snop  }
0x7: {  	_ = 	snop  }
__scs_overlays_trampoline_lowered:
0x8: {  	[smem:$0x3FAF] =	sst s0  }
0x9: {  	[smem:$0x3FB0] =	sst s1  }
0xa: {  	[smem:$0x3FB1] =	sst s2  }
0xb: {  	[smem:$0x3FB2] =	sst s3  }
0xc: {  	[smem:$0x3FB3] =	sst s4  }
0xd: {  	[smem:$0x3FB4] =	sst s5  }
0xe: {  	[smem:$0x3FB5] =	sst s6  }
0xf: {  	[smem:$0x3FB6] =	sst s7  }
0x10: {  	[smem:$0x3FB7] =	sst s8  }
0x11: {  	[smem:$0x3FB8] =	sst s9;
	s0 =	simm.s32 @!p0 $0x0  }
0x12: {  	s1 =	sld [smem:$0x3F9E];
	s0 =	simm.s32 @p0 $0x1  }
0x13: {  	[smem:$0x3FB9] =	sst s0;
	s0 =	simm.s32 @!p1 $0x0  }
0x14: {  	s2 =	sld [smem:$0x3F9D];
	s0 =	simm.s32 @p1 $0x1  }
0x15: {  	[smem:$0x3FBA] =	sst s0;
	s0 =	simm.s32 @!p2 $0x0  }
0x16: {  	s3 =	sld [smem:$0x3FDB];
	s0 =	simm.s32 @p2 $0x1  }
0x17: {  	s4 =	simm.s32 $0x1BF5;
	[smem:$0x3FBC] =	sst s0  }
0x18: {  	s0 =	sld [smem:$0x3F9F];
	_ =	swait.ge [sflag:s4], $0x0  }
0x19: {  	s7 =	sld [smem:$0x3FA0]  }
0x1a: {  	s8 =	sadd.s32 $0xFFFFE003, lr  }
0x1b: {  	s9 =	sadd.s32 $0xFFFFFEF7, lr;
	s5 =	simm.s32 $0xFFFFFFFF;
	p2 =	slt.u32 s8, $0xFFFFF086  }
0x1c: {  	p1 =	slt.u32 s9, $0xF7A;
	s5 =	simm.s32 @!p2 $0x0  }
0x1d: {  	s5 =	simm.s32 @p1 $0x1;
	p0 =	seq.s32 s7, s2  }
0x1e: {  	s7 =	smul.u32 @!p0 $0xF7A, s2;
	p2 =	seq.s32 @!p0 s5, $0x0  }
0x1f: {  	s9 =	smul.u32 $0xF7A, s1;
	s8 =	simm.s32 @!p0 $0x1BF5;
	p2 =	por !p2, p0  }
0x20: {  	[sflag:s8] =	ssyncset.s32 @!p0 $0xFFFFF086;
	s6 =	sadd.s32 @!p0 s3, s7;
	s7 =	simm.s32 @!p0 $0x108  }
0x21: {  	s3 =	sadd.s32 s3, s9;
	s6 =	sadd.s32 @!p0 $0x88, s6;
	s7 =	simm.s32 @p2 $0x1082  }
0x22: {  	[simem:s7], [sflag:s8] =	dma.local @!p0 [hbm:s6], $0xF7A  }
0x23: {  	s9 =	sor.u32 $0xD0000000, s2;
	s6 =	simm.s32 $0x108;
	_ =	swait.ge @!p0 [sflag:s8], $0x0  }
0x24: {  	s3 =	sadd.s32 $0x88, s3;
	s6 =	simm.s32 @!p1 $0x1082;
	[sflag:s4] =	ssyncset.s32 $0xFFFFF086  }
0x25: {  	[simem:s6], [sflag:s4] =	dma.local [hbm:s3], $0xF7A  }
0x26: {  	[smem:$0x3FA0] =	sst s1;
	(tag) =	ssettag s2;
	_ =	strace s9  }
0x27: {  	s1 =	sld [smem:$0x3FB0]  }
0x28: {  	s2 =	sld [smem:$0x3FB1]  }
0x29: {  	s4 =	sld [smem:$0x3FB3]  }
0x2a: {  	p0 =	seq.s32 s5, $0x0;
	s5 =	sld [smem:$0x3FB4]  }
0x2b: {  	s6 =	sld [smem:$0x3FB5]  }
0x2c: {  	s7 =	sld [smem:$0x3FB6]  }
0x2d: {  	s3 =	simm.s32 $0x108;
	s8 =	sld [smem:$0x3FB7]  }
0x2e: {  	s3 =	simm.s32 @!p0 $0x1082;
	s9 =	sld [smem:$0x3FB8]  }
0x2f: {  	lr =	sadd.s32 s0, s3;
	s0 =	sld [smem:$0x3FAF]  }
0x30: {  	s3 =	sld [smem:$0x3FB2]  }
0x31: {  	[smem:$0x3FBB] =	sst s10  }
0x32: {  	s10 =	sld [smem:$0x3FB9];
	_ =	sdelay $0x3  }
0x33: {  	p0 =	seq.s32 s10, $0x1;
	s10 =	sld [smem:$0x3FBB];
	_ =	sdelay $0x3  }
0x34: {  	[smem:$0x3FBB] =	sst s10  }
0x35: {  	s10 =	sld [smem:$0x3FBA];
	_ =	sdelay $0x3  }
0x36: {  	p1 =	seq.s32 s10, $0x1;
	s10 =	sld [smem:$0x3FBB];
	_ =	sdelay $0x3  }
0x37: {  	[smem:$0x3FBB] =	sst s10  }
0x38: {  	s10 =	sld [smem:$0x3FBC]  }
0x39: {  	_ = 	snop;
	(pc) =	sbr.ind lr, $3  }
0x3a: {  	_ = 	snop  }
0x3b: {  	_ = 	snop  }
0x3c: {  	p2 =	seq.s32 s10, $0x1;
	s10 =	sld [smem:$0x3FBB]  }
0x3d: {  	_ =	shalt  }
0x3e: {  	_ =	shalt  }
0x3f: {  	_ =	shalt  }
0x40: {  	_ =	shalt  }
0x41: {  	_ =	shalt  }
0x42: {  	_ =	shalt  }
0x43: {  	_ =	shalt  }
0x44: {  	_ =	shalt  }
0x45: {  	_ =	shalt  }
0x46: {  	_ =	shalt  }
0x47: {  	_ =	shalt  }
0x48: {  	_ =	shalt  }
0x49: {  	_ =	shalt  }
0x4a: {  	_ =	shalt  }
0x4b: {  	_ =	shalt  }
0x4c: {  	_ =	shalt  }
0x4d: {  	_ =	shalt  }
0x4e: {  	_ =	shalt  }
0x4f: {  	_ =	shalt  }
0x50: {  	_ =	shalt  }
0x51: {  	_ =	shalt  }
0x52: {  	_ =	shalt  }
0x53: {  	_ =	shalt  }
0x54: {  	_ =	shalt  }
0x55: {  	_ =	shalt  }
0x56: {  	_ =	shalt  }
0x57: {  	_ =	shalt  }
0x58: {  	_ =	shalt  }
0x59: {  	_ =	shalt  }
0x5a: {  	_ =	shalt  }
0x5b: {  	_ =	shalt  }
0x5c: {  	_ =	shalt  }
0x5d: {  	_ =	shalt  }
0x5e: {  	_ =	shalt  }
0x5f: {  	_ =	shalt  }
0x60: {  	_ =	shalt  }
0x61: {  	_ =	shalt  }
0x62: {  	_ =	shalt  }
0x63: {  	_ =	shalt  }
0x64: {  	_ =	shalt  }
0x65: {  	_ =	shalt  }
0x66: {  	_ =	shalt  }
0x67: {  	_ =	shalt  }
0x68: {  	_ =	shalt  }
0x69: {  	_ =	shalt  }
0x6a: {  	_ =	shalt  }
0x6b: {  	_ =	shalt  }
0x6c: {  	_ =	shalt  }
0x6d: {  	_ =	shalt  }
0x6e: {  	_ =	shalt  }
0x6f: {  	_ =	shalt  }
0x70: {  	_ =	shalt  }
0x71: {  	_ =	shalt  }
0x72: {  	_ =	shalt  }
0x73: {  	_ =	shalt  }
0x74: {  	_ =	shalt  }
0x75: {  	_ =	shalt  }
0x76: {  	_ =	shalt  }
0x77: {  	_ =	shalt  }
0x78: {  	_ =	shalt  }
0x79: {  	_ =	shalt  }
0x7a: {  	_ =	shalt  }
0x7b: {  	_ =	shalt  }
0x7c: {  	_ =	shalt  }
0x7d: {  	_ =	shalt  }
0x7e: {  	_ =	shalt  }
0x7f: {  	_ =	shalt  }
0x80: {  	_ =	shalt  }
0x81: {  	_ =	shalt  }
0x82: {  	_ =	shalt  }
0x83: {  	_ =	shalt  }
0x84: {  	_ =	shalt  }
0x85: {  	_ =	shalt  }
0x86: {  	_ =	shalt  }
0x87: {  	_ =	shalt  }
.Lfunc_end0:
.L_simem_size_0:
called_computation.1_lowered:
.L_overlay_start_0:
0x88: {  	s2 =	sld [smem:$0x3FD9]  }
0x89: {  	s3 =	sld [smem:$0x3FFE];
	_ =	sdelay $0x1  }
0x8a: {  	s1 =	srdreg.scid  }
0x8b: {  	s0 =	sand.u32 $0x1, s1  }
0x8c: {  	s14 =	sshll.u32 s0, $0xA;
	s2 =	sadd.s32 s3, s2  }
0x8d: {  	s2 =	sadd.s32 s2, s14  }
0x8e: {  	[smem:$0x3FC7] =	sst s2  }
0x8f: {  	_ = 	snop  }
0x90: {  	s2 =	sld [smem:$0x3FD0];
	_ =	sdelay $0x2  }
0x91: {  	s15 =	simm.s32 $0xA;
	s4 =	simm.s32 $0x10  }
0x92: {  	[smem:s4], [sflag:s15] =	dma.local [hbm:s2], $0x1  }
0x93: {  	_ =	swait.eq [sflag:s15], $0x1  }
0x94: {  	[sflag:s15] =	ssyncset.done $0x0  }
0x95: {  	[sflag:s15] =	ssyncadd.s32 $0xFFFFFFFF  }
0x96: {  	s16 =	sld [smem:$0x11];
	(tm) =	ssettm $0x1  }
0x97: {  	s17 =	sld [smem:$0x3FFB];
	_ =	sdelay $0x3  }
0x98: {  	_ =	strace s17  }
0x99: {  	s3 =	sld [smem:$0x3FFC];
	_ =	sdelay $0x3  }
0x9a: {  	_ =	strace s3  }
0x9b: {  	s3 =	sld [smem:$0x3FFD];
	_ =	sdelay $0x3  }
0x9c: {  	_ =	strace s3  }
0x9d: {  	_ =	strace $0x8FFFFFFF  }
0x9e: {  	s18 =	sld [smem:$0x3FDB];
	_ =	sdelay $0x1  }
0x9f: {  	s19 =	simm.s32 $_scs_section_size  }
0xa0: {  	s5 =	simm.s32 $_size__tile_overlayer_lowered;
	s6 =	simm.s32 $_tile_overlayer_lowered  }
0xa1: {  	s22 =	simm.s32 $0x1BFF;
	s21 =	sshll.u32 s6, $0x1;
	s3 =	sadd.s32 s19, s18  }
0xa2: {  	s7 =	simm.s32 $0x0;
	s20 =	sshll.u32 s5, $0x1;
	s5 =	sadd.s32 s21, s3  }
0xa3: {  	[timem:s7], [sflag:s22] =	dma.local [hbm:s5], s20  }
0xa4: {  	_ =	swait.ge [sflag:s22], s20  }
0xa5: {  	s4 =	ssub.s32 $0x0, s20;
	[sflag:s22] =	ssyncset.done $0x0  }
0xa6: {  	[sflag:s22] =	ssyncadd.s32 s4;
	_ =	sdelay $0x1  }
0xa7: {  	s23 =	simm.s32 $0x1B8B  }
0xa8: {  	_ =	swait.ge [sflag:s23], $0x1  }
0xa9: {  	[sflag:s23] =	ssyncset.done $0x0  }
0xaa: {  	s25 =	simm.s32 $0x1B8E;
	s24 =	sld [smem:$0x3FFE];
	[sflag:s23] =	ssyncadd.s32 $0xFFFFFFFF  }
0xab: {  	s26 =	simm.s32 $execute0_lowered;
	[smem:$0x3FD2] =	sst s25  }
0xac: {  	s5 =	sshll.u32 s26, $0x1;
	_ =	strace $0x80000049;
	[dreg:$0x1] =	wrdreg $0xFFFFFFFF  }
0xad: {  	s28 =	simm.s32 $_size_execute0_lowered;
	s3 =	sadd.s32 s3, s5;
	[dreg:$0x0] =	wrdreg $0x0  }
0xae: {  	s5 =	sshll.u32 s28, $0x1;
	[dreg:$0x2] =	wrdreg s3  }
0xaf: {  	[dreg:$0x3] =	wrdreg s5  }
0xb0: {  	[dreg:$0x4] =	wrdreg $0xC0  }
0xb1: {  	_ =	task [dreg:s7], $0x5FFFF  }
0xb2: {  	[dreg:$0x1] =	wrdreg $0xFFFFFFFF  }
0xb3: {  	[dreg:$0x0] =	wrdreg $0x60  }
0xb4: {  	[dreg:$0x2] =	wrdreg s24  }
0xb5: {  	[dreg:$0x3] =	wrdreg s16  }
0xb6: {  	[dreg:$0x4] =	wrdreg $0x9  }
0xb7: {  	_ =	task.clear_ibuf [dreg:s7], $0x5FFFF;
	_ =	strace $0x90000049  }
0xb8: {  	s29 =	simm.s32 $0x9;
	_ =	strace $0x8000004B  }
0xb9: {  	_ =	swait.ge [sflag:s29], $0x1  }
0xba: {  	[sflag:s29] =	ssyncadd.s32 $0xFFFFFFFF  }
0xbb: {  	_ =	strace $0x9000004B  }
0xbc: {  	_ =	sfence  }
0xbd: {  	s30 =	sld [smem:$0x0];
	_ =	sdelay $0x2  }
0xbe: {  	s31 =	sshll.u32 s1, $0xD;
	s1 =	sshrl.u32 s1, $0x2  }
0xbf: {  	s3 =	sand.u32 $0x4000, s31;
	s1 =	sadd.s32 s1, s30  }
0xc0: {  	s0 =	sor.u32 s3, s0;
	s1 =	sshll.u32 s1, $0x11  }
0xc1: {  	s0 =	sor.u32 s1, s0  }
0xc2: {  	s0 =	sadd.s32 $0x8F2B, s0  }
0xc3: {  	[sflag:s0] =	ssyncadd.remote.s32 $0x1  }
0xc4: {  	_ =	sfence.sel $0xFFFF  }
0xc5: {  	[dreg:$0x0] =	wrdreg $0xFFFFFFFF;
	(pc) =	sbr.abs _section_cstart, $3  }
0xc6: {  	[dreg:$0x1] =	wrdreg $0xFFFFFFFF  }
0xc7: {  	_ =	task.clear_ibuf [dreg:s7], $0x2FFFF;
	_ =	strace $0x9FFFFFFF  }
0xc8: {  	(tm) =	ssettm $0x7FFFFFFF  }
0xc9: {  	_ =	shalt  }
tec
execute0_lowered:
.L_overlay_start_1:
0x0: {  	(tag) =	ssettag $0x1  }
0x1: {  	s2 =	rddreg [dreg:$0x0];
	s1 =	srdreg.scid  }
0x2: {  	s0 =	stileid.u32;
	s6 =	rddreg [dreg:$0x1];
	s3 =	simm.s32 $0x0  }
0x3: {  	s11 =	simm.s32 $0x1C00;
	s12 =	simm.s32 $0x3800;
	s13 =	simm.s32 $0x5400  }
0x4: {  	s14 =	simm.s32 $0x7F00;
	s5 =	sand.u32 $0x1, s1;
	s4 =	sshll.u32 s0, $0x1  }
0x5: {  	s15 =	simm.s32 $0xAA00;
	s1 =	rddreg [dreg:$0x2];
	s4 =	sor.u32 s5, s4  }
0x6: {  	s16 =	simm.s32 $0x0;
	[smem:$0x7FF] =	sst s3;
	s7 =	smul.u32 $0x558, s4  }
0x7: {  	_ =	strace $0x8000004A;
	s8 =	ssub.s32 $0x2, s5;
	s5 =	sadd.s32 $0xB400, s2  }
0x8: {  	s4 =	sadd.s32 $0xB000, s2;
	s10 =	sshrl.u32 s8, $0x1;
	s9 =	sadd.s32 s7, s2  }
0x9: {  	s10 =	ssub.s32 s8, s10;
	s6 =	sadd.s32 s6, s7;
	s7 =	sadd.s32 $0x400, s9  }
0xa: {  	s8 =	sadd.s32 $0xB800, s9;
	s9 =	smax.u32 s10, $0x1;
	s10 =	simm.s32 $0x1  }
.LBB2_1:
0xb: {  	[tilespmem:s3], [sflag:$0x1] =	stream.linear.gather [hbm4b:s4+s3], $0x1C00, $0x38;
	[tilespmem:$0xD500] =	vst v63  }
0xc: {  	_ =	swait.ge [sflag:s10], $0x1C00  }
0xd: {  	[sflag:s10] =	ssyncset.done $0x0  }
0xe: {  	[sflag:s10] =	ssyncadd.s32 $0xFFFFE400  }
0xf: {  	[tilespmem:s11], [sflag:$0x1] =	stream.linear.gather [hbm4b:s5+s3], $0x1C00, $0x38;
	[tilespmem:$0xD500] =	vst v63  }
0x10: {  	_ =	swait.ge [sflag:s10], $0x1C00  }
0x11: {  	[sflag:s10] =	ssyncset.done $0x0  }
0x12: {  	[sflag:s10] =	ssyncadd.s32 $0xFFFFE400  }
0x13: {  	[tilespmem:s12], [sflag:$0x1] =	stream.linear.gather [hbm4b:s2+s3], $0x1C00, $0x38;
	[tilespmem:$0xD500] =	vst v63  }
0x14: {  	_ =	swait.ge [sflag:s10], $0x1C00  }
0x15: {  	[sflag:s10] =	ssyncset.done $0x0  }
0x16: {  	[sflag:s10] =	ssyncadd.s32 $0xFFFFE400  }
0x17: {  	[tilespmem:s13], [sflag:$0x1] =	stream.linear.gather [hbm4b:s6+s3], $0x2AC0, $0x38;
	[tilespmem:$0xD500] =	vst v63  }
0x18: {  	_ =	swait.ge [sflag:s10], $0x2AC0  }
0x19: {  	[sflag:s10] =	ssyncset.done $0x0  }
0x1a: {  	[sflag:s10] =	ssyncadd.s32 $0xFFFFD540  }
0x1b: {  	[tilespmem:s14], [sflag:$0x1] =	stream.linear.gather [hbm4b:s7+s3], $0x2AC0, $0x38;
	[tilespmem:$0xD500] =	vst v63  }
0x1c: {  	_ =	swait.ge [sflag:s10], $0x2AC0  }
0x1d: {  	[sflag:s10] =	ssyncset.done $0x0  }
0x1e: {  	s17 =	simm.s32 $0x0;
	[sflag:s10] =	ssyncadd.s32 $0xFFFFD540  }
0x1f: {  	v0 =	vld [tilespmem:s17+$0x7F00]  }
0x20: {  	v1 =	vld [tilespmem:s17+$0x5400];
	_ =	sdelay $0x6  }
0x21: {  	v2 =	vld.idx.msk [tilespmem:v0+s3+$0x0], $0xffff  }
0x22: {  	v3 =	vld.idx.msk [tilespmem:v1+s3+$0x0], $0xffff  }
0x23: {  	v4 =	vld.idx.msk [tilespmem:v1+s11+$0x0], $0xffff  }
0x24: {  	v5 =	vld.idx.msk [tilespmem:v0+s11+$0x0], $0xffff  }
0x25: {  	v6 =	vld.idx.msk [tilespmem:v1+s12+$0x0], $0xffff  }
0x26: {  	v7 =	vld.idx.msk [tilespmem:v0+s12+$0x0], $0xffff;
	_ =	sdelay $0x2  }
0x27: {  	s18 =	simm.s32 $0x10;
	v3 =	vsub.f32 v3, v2;
	v4 =	vsub.f32 v4, v5  }
0x28: {  	v0 =	vld [tilespmem:s18+$0x7F00]  }
0x29: {  	v1 =	vld [tilespmem:s18+$0x5400];
	v2 =	vsub.f32 v6, v7;
	v3 =	vmul.f32 v3, v3;
	v4 =	vmul.f32 v4, v4  }
0x2a: {  	s19 =	simm.s32 $0x80  }
.LBB2_2:
0x2b: {  	p0 =	sne.s32 s19, $0xAAC0;
	v3 =	vadd.f32 v4, v3;
	v2 =	vmul.f32 v2, v2;
	_ =	sdelay $0x1  }
0x2c: {  	v2 =	vadd.f32 v2, v3;
	_ =	sdelay $0x1  }
0x2d: {  	[tilespmem:s17+$0xAA00] =	vst v2;
	s17 =	smov.u32 s18  }
0x2e: {  	v2 =	vld.idx.msk [tilespmem:v0+s3+$0x0], $0xffff  }
0x2f: {  	v3 =	vld.idx.msk [tilespmem:v1+s3+$0x0], $0xffff  }
0x30: {  	v4 =	vld.idx.msk [tilespmem:v1+s11+$0x0], $0xffff  }
0x31: {  	v5 =	vld.idx.msk [tilespmem:v0+s11+$0x0], $0xffff  }
0x32: {  	v6 =	vld.idx.msk [tilespmem:v1+s12+$0x0], $0xffff  }
0x33: {  	v7 =	vld.idx.msk [tilespmem:v0+s12+$0x0], $0xffff;
	_ =	sdelay $0x2  }
.Ltmp0:
0x34: {  	(pc) =	sbr.rel @p0 .LBB2_2-.Ltmp0, $4  }
0x35: {  	s18 =	sshra.s32 s19, $0x2;
	v3 =	vsub.f32 v3, v2;
	v4 =	vsub.f32 v4, v5  }
0x36: {  	v0 =	vld [tilespmem:s18+$0x7F00]  }
0x37: {  	v3 =	vmul.f32 v3, v3;
	v2 =	vsub.f32 v6, v7;
	v4 =	vmul.f32 v4, v4;
	v1 =	vld [tilespmem:s18+$0x5400]  }
0x38: {  	s19 =	sadd.s32 $0x40, s19  }
0x39: {  	_ = 	snop  }
0x3a: {  	v3 =	vadd.f32 v4, v3;
	v2 =	vmul.f32 v2, v2;
	_ =	sdelay $0x1  }
0x3b: {  	v2 =	vadd.f32 v2, v3;
	_ =	sdelay $0x1  }
0x3c: {  	[tilespmem:s17+$0xAA00] =	vst v2  }
0x3d: {  	v2 =	vld.idx.msk [tilespmem:v0+s3+$0x0], $0xffff  }
0x3e: {  	v57 =	vld.idx.msk [tilespmem:v1+s3+$0x0], $0xffff  }
0x3f: {  	v58 =	vld.idx.msk [tilespmem:v1+s11+$0x0], $0xffff  }
0x40: {  	v5 =	vld.idx.msk [tilespmem:v0+s11+$0x0], $0xffff  }
0x41: {  	v59 =	vld.idx.msk [tilespmem:v1+s12+$0x0], $0xffff  }
0x42: {  	v60 =	vld.idx.msk [tilespmem:v0+s12+$0x0], $0xffff;
	_ =	sdelay $0x2  }
0x43: {  	v2 =	vsub.f32 v57, v2;
	v61 =	vsub.f32 v58, v5;
	_ =	sdelay $0x1  }
0x44: {  	v0 =	vsub.f32 v59, v60;
	v62 =	vmul.f32 v2, v2;
	v63 =	vmul.f32 v61, v61;
	_ =	sdelay $0x1  }
0x45: {  	v0 =	vmul.f32 v0, v0;
	v1 =	vadd.f32 v63, v62;
	_ =	sdelay $0x1  }
0x46: {  	s16 =	sadd.s32 $0x1, s16;
	v0 =	vadd.f32 v0, v1  }
0x47: {  	p0 =	sne.s32 s16, s9  }
.Ltmp1:
0x48: {  	[tilespmem:s18+$0xAA00] =	vst v0;
	(pc) =	sbr.rel @p0 .LBB2_1-.Ltmp1, $4  }
0x49: {  	[hbm4b:s8+s3] =	stream.linear.scatter [tilespmem:s15], [sflag:$0x1], $0x2AC0, $0x38;
	[tilespmem:$0xD500] =	vst v63  }
0x4a: {  	_ =	swait.ge [sflag:s10], $0x2AC0  }
0x4b: {  	[sflag:s10] =	ssyncset.done $0x0  }
0x4c: {  	[sflag:s10] =	ssyncadd.s32 $0xFFFFD540  }
0x4d: {  	_ =	sfence.sel $0x180000  }
0x4e: {  	[bflag:$0x0] =	sbarrier.arrive $0xFFFF  }
0x4f: {  	p0 =	sne.s32 s0, $0x0;
	_ =	strace $0x9000004A  }
0x50: {  	s0 =	sadd.s32 @!p0 $0x100000, s1;
	[bflag:$0x2] =	sbarrier.arrive $0xFFFF  }
0x51: {  	[sflag:s0] =	ssyncadd.tile.s32 @!p0 $0x1;
	_ =	shalt  }
.Lfunc_end2:
_tile_overlayer_lowered:
.L_overlay_start_2:
0x52: {  	(tag) =	ssettag $0x2  }
0x53: {  	s0 =	rddreg [dreg:$0x0];
	s2 =	stileid.u32  }
0x54: {  	s1 =	rddreg [dreg:$0x1];
	p0 =	sne.s32 s2, $0x0  }
0x55: {  	s3 =	rddreg [dreg:$0x2];
	[bflag:$0x3] =	sbarrier.arrive $0xFFFF;
	s2 =	simm.s32 @!p0 $0x1C01  }
0x56: {  	[timem:s3], [sflag:s2] =	dma.local @!p0 [hbm:s0], s1  }
0x57: {  	s0 =	simm.s32 @!p0 $0x1  }
0x58: {  	_ =	swait.ge @!p0 [sflag:s0], s1  }
0x59: {  	s1 =	ssub.s32 @!p0 $0x0, s1;
	[sflag:s0] =	ssyncset.done @!p0 $0x0  }
0x5a: {  	[sflag:s0] =	ssyncadd.s32 @!p0 s1  }
0x5b: {  	[bflag:$0x3] =	sbarrier.arrive $0xFFFF  }
0x5c: {  	_ =	shalt  }

</sc_bundles>
